<compile_context>
chip_gen: v7x
topology: tpu7x:2x2x1
jax: 0.10.2.dev20260603
libtpu: 0.0.44.dev20260713+nightly
codegen_flags: <defaults>
</compile_context>

<pallas_src>
import functools

import jax
import jax.numpy as jnp
from jax import lax
from jax.experimental import pallas as pl
from jax.experimental.pallas import tpu as pltpu
from jax.experimental.pallas import tpu_sc as plsc

_N = 10000
_E = 320000
_D_IN = 128
_ENC1 = 64
_ENC2 = 32
_OUT = 64
_R = 4

_BLK = 128
_TILES = 32
_ROWS = 2560
_EP = _ROWS * _BLK
_TROWS = _ROWS // _TILES
_AROWS = _R * _N
_APAD = 40960
_TSLICE = _APAD // 16
_ZR = 128



_EB = _ROWS // 10
_ER = _E // _BLK


def _encoder_body(x_ref, w1_ref, b1_ref, w2_ref, b2_ref, eit_ref, et_ref,
                  nm_ref, o_ref, src_ref, sidx_ref, nrm_ref):
    h1 = jnp.maximum(jnp.dot(x_ref[...], w1_ref[...]) + b1_ref[...], 0.0)
    o_ref[...] = jnp.maximum(jnp.dot(h1, w2_ref[...]) + b2_ref[...], 0.0)

    i = pl.program_id(0)
    row = lax.broadcasted_iota(jnp.int32, (_EB, _BLK), 0) + i * _EB
    col = lax.broadcasted_iota(jnp.int32, (_EB, _BLK), 1)
    valid = row < _ER
    padv = (row & 63) * _BLK + col
    src_ref[...] = jnp.where(valid, eit_ref[:, 0, :], padv)
    sidx_ref[...] = jnp.where(valid, 4 * eit_ref[:, 1, :] + et_ref[...], padv)
    nrm_ref[...] = jnp.where(valid, nm_ref[...], 0.0)


def _encoder(x, w1, b1, w2, b2, eit, et2, nm2):
    blk = 1000
    grid = _N // blk
    return pl.pallas_call(
        _encoder_body,
        grid=(grid,),
        in_specs=[
            pl.BlockSpec((blk, _D_IN), lambda i: (i, 0)),
            pl.BlockSpec((_D_IN, _ENC1), lambda i: (0, 0)),
            pl.BlockSpec((1, _ENC1), lambda i: (0, 0)),
            pl.BlockSpec((_ENC1, _ENC2), lambda i: (0, 0)),
            pl.BlockSpec((1, _ENC2), lambda i: (0, 0)),
            pl.BlockSpec((_EB, 2, _BLK), lambda i: (i, 0, 0)),
            pl.BlockSpec((_EB, _BLK), lambda i: (i, 0)),
            pl.BlockSpec((_EB, _BLK), lambda i: (i, 0)),
        ],
        out_specs=[
            pl.BlockSpec((blk, _ENC2), lambda i: (i, 0)),
            pl.BlockSpec((_EB, _BLK), lambda i: (i, 0)),
            pl.BlockSpec((_EB, _BLK), lambda i: (i, 0)),
            pl.BlockSpec((_EB, _BLK), lambda i: (i, 0)),
        ],
        out_shape=[
            jax.ShapeDtypeStruct((_N, _ENC2), jnp.float32),
            jax.ShapeDtypeStruct((_ROWS, _BLK), jnp.int32),
            jax.ShapeDtypeStruct((_ROWS, _BLK), jnp.int32),
            jax.ShapeDtypeStruct((_ROWS, _BLK), jnp.float32),
        ],
    )(x, w1, b1.reshape(1, _ENC1), w2, b2.reshape(1, _ENC2), eit, et2, nm2)



def _sc_edge_aggregate(h, src2, sidx2, norm2):
    mesh = plsc.VectorSubcoreMesh(core_axis_name="c", subcore_axis_name="s")

    @functools.partial(
        pl.kernel,
        out_type=jax.ShapeDtypeStruct((2, _APAD, _ENC2), jnp.float32),
        mesh=mesh,
        compiler_params=pltpu.CompilerParams(use_tc_tiling_on_sc=False),
        scratch_types=[
            pltpu.VMEM((_TROWS, _BLK), jnp.int32),
            pltpu.VMEM((_TROWS, _BLK), jnp.int32),
            pltpu.VMEM((_TROWS, _BLK), jnp.float32),
            pltpu.VMEM((_BLK, _ENC2), jnp.float32),
            pltpu.VMEM((_BLK, _ENC2), jnp.float32),
            pltpu.VMEM((_ZR, _ENC2), jnp.float32),
            pltpu.VMEM_SHARED((_APAD, _ENC2), jnp.float32),
            pltpu.SemaphoreType.DMA,
            pltpu.SemaphoreType.DMA,
            pltpu.SemaphoreType.DMA,
            pltpu.SemaphoreType.DMA,
        ],
    )
    def sc_kernel(h_hbm, src_hbm, sidx_hbm, norm_hbm, out_hbm,
                  srcv, sidxv, normv, rows0, rows1, zbuf, a_sh,
                  sem0, sem1, ssem0, ssem1):
        cid = lax.axis_index("c")
        sid = lax.axis_index("s")
        tbase = (cid * 16 + sid) * _TROWS

        d1 = pltpu.async_copy(src_hbm.at[pl.ds(tbase, _TROWS)], srcv, ssem0)
        d2 = pltpu.async_copy(sidx_hbm.at[pl.ds(tbase, _TROWS)], sidxv, ssem0)
        d3 = pltpu.async_copy(norm_hbm.at[pl.ds(tbase, _TROWS)], normv, ssem1)

        @pl.loop(0, _ZR)
        def _(i):
            zbuf[i, pl.ds(0, 16)] = jnp.zeros((16,), jnp.float32)
            zbuf[i, pl.ds(16, 16)] = jnp.zeros((16,), jnp.float32)

        abase = sid * _TSLICE

        @pl.loop(0, _TSLICE, step=_ZR)
        def _(q):
            pltpu.sync_copy(zbuf, a_sh.at[pl.ds(abase + q, _ZR)])

        d1.wait()
        d2.wait()
        d3.wait()
        plsc.subcore_barrier()

        def scale(rows, k):
            @pl.loop(0, _BLK, step=16)
            def _(g):
                nv = normv[k, pl.ds(g, 16)]
                for j in range(16):
                    n = nv[j]
                    rows[g + j, pl.ds(0, 16)] = rows[g + j, pl.ds(0, 16)] * n
                    rows[g + j, pl.ds(16, 16)] = rows[g + j, pl.ds(16, 16)] * n

        pltpu.async_copy(h_hbm.at[srcv.at[0]], rows0, sem0)
        pltpu.async_copy(h_hbm.at[srcv.at[1]], rows1, sem1)

        @pl.loop(0, _TROWS, step=2)
        def _(k):
            pltpu.make_async_copy(h_hbm.at[srcv.at[k]], rows0, sem0).wait()
            scale(rows0, k)
            pltpu.async_copy(rows0, a_sh.at[sidxv.at[k]], ssem0, add=True)

            pltpu.make_async_copy(h_hbm.at[srcv.at[k + 1]], rows1, sem1).wait()
            scale(rows1, k + 1)
            pltpu.async_copy(rows1, a_sh.at[sidxv.at[k + 1]], ssem1, add=True)

            pltpu.make_async_copy(rows0, a_sh.at[sidxv.at[k]], ssem0).wait()

            @pl.when(k + 2 < _TROWS)
            def _():
                pltpu.async_copy(h_hbm.at[srcv.at[k + 2]], rows0, sem0)

            pltpu.make_async_copy(rows1, a_sh.at[sidxv.at[k + 1]], ssem1).wait()

            @pl.when(k + 3 < _TROWS)
            def _():
                pltpu.async_copy(h_hbm.at[srcv.at[k + 3]], rows1, sem1)

        plsc.subcore_barrier()
        pltpu.sync_copy(a_sh.at[pl.ds(abase, _TSLICE)],
                        out_hbm.at[cid, pl.ds(abase, _TSLICE)])

    return sc_kernel(h, src2, sidx2, norm2)



def _final_body(a_ref, h_ref, wstk_ref, wloop_ref, b_ref, o_ref):
    s = a_ref[0] + a_ref[1]
    acc = jnp.dot(s, wstk_ref[...]) + jnp.dot(h_ref[...], wloop_ref[...])
    o_ref[...] = jnp.maximum(acc + b_ref[...], 0.0)


def _finalize(a2, h, wstk, wloop, bias):
    blk = 2000
    grid = _N // blk
    return pl.pallas_call(
        _final_body,
        grid=(grid,),
        in_specs=[
            pl.BlockSpec((2, blk, 4 * _ENC2), lambda i: (0, i, 0)),
            pl.BlockSpec((blk, _ENC2), lambda i: (i, 0)),
            pl.BlockSpec((4 * _ENC2, _OUT), lambda i: (0, 0)),
            pl.BlockSpec((_ENC2, _OUT), lambda i: (0, 0)),
            pl.BlockSpec((1, _OUT), lambda i: (0, 0)),
        ],
        out_specs=pl.BlockSpec((blk, _OUT), lambda i: (i, 0)),
        out_shape=jax.ShapeDtypeStruct((_N, _OUT), jnp.float32),
    )(a2, h, wstk, wloop, bias.reshape(1, _OUT))



def kernel(node_features, edge_index, edgetypes, norm, W1, b1, W2, b2,
           Wrel, Wloop, bias):
    eit = edge_index.reshape(2, _ER, _BLK).transpose(1, 0, 2)
    et2 = edgetypes.reshape(_ER, _BLK)
    nm2 = norm.reshape(_ER, _BLK)
    h, src_p, sidx_p, norm_p = _encoder(node_features, W1, b1, W2, b2,
                                        eit, et2, nm2)

    a_parts = _sc_edge_aggregate(h, src_p, sidx_p, norm_p)
    a2 = a_parts.reshape(2, _APAD // 4, 4 * _ENC2)

    return _finalize(a2, h, Wrel.reshape(_R * _ENC2, _OUT), Wloop, bias)

# --- scband reference (transcript-rebuilt; emitter-appended) ---
"""Pipeline reference for scband-rgcn-35485019799713 (READ-ONLY COPY).

The authoritative reference and input builder live on the scoring server;
editing this copy changes nothing except your own understanding.
"""

import jax, jax.numpy as jnp
import numpy as np

N = 10000
E = 320000
D_IN = 128
ENC1 = 64
ENC2 = 32
OUT = 64
NUM_RELS = 4


def setup_inputs(seed: int = 0) -> dict:
    key = jax.random.key(seed)
    ks = jax.random.split(key, 12)
    node_features = jax.random.normal(ks[0], (N, D_IN), dtype=jnp.float32)
    edge_index = jax.random.randint(ks[1], (2, E), 0, N, dtype=jnp.int32)
    edgetypes = jax.random.randint(ks[2], (E,), 0, NUM_RELS, dtype=jnp.int32)
    norm = jax.random.uniform(ks[3], (E, 1), dtype=jnp.float32)
    # encoder mlp: in_dim -> 64 -> 32, ReLU after each (last_relu=True)
    W1 = jax.random.normal(ks[4], (D_IN, ENC1), dtype=jnp.float32) * 0.05
    b1 = jnp.zeros((ENC1,), dtype=jnp.float32)
    W2 = jax.random.normal(ks[5], (ENC1, ENC2), dtype=jnp.float32) * 0.05
    b2 = jnp.zeros((ENC2,), dtype=jnp.float32)
    # RelGraphConv i2o layer: per-relation weights (num_bases=-1 -> full weights),
    # plus self-loop weight and bias (DGL defaults)
    Wrel = jax.random.normal(ks[6], (NUM_RELS, ENC2, OUT), dtype=jnp.float32) * 0.05
    Wloop = jax.random.normal(ks[7], (ENC2, OUT), dtype=jnp.float32) * 0.05
    bias = jnp.zeros((OUT,), dtype=jnp.float32)
    return {
        'node_features': node_features,
        'edge_index': edge_index,
        'edgetypes': edgetypes,
        'norm': norm,
        'W1': W1, 'b1': b1, 'W2': W2, 'b2': b2,
        'Wrel': Wrel, 'Wloop': Wloop, 'bias': bias,
    }


def reference(node_features, edge_index, edgetypes, norm, W1, b1, W2, b2, Wrel, Wloop, bias):
    # encoder MLP with ReLU after every layer
    h = jax.nn.relu(node_features @ W1 + b1)
    h = jax.nn.relu(h @ W2 + b2)
    src = edge_index[0]
    dst = edge_index[1]
    hs = h[src]  # gather source node features per edge [E, ENC2]
    # per-relation transform: m_e = hs_e @ Wrel[etype_e]  (num_bases=-1 -> one weight per relation)
    m = jnp.zeros((hs.shape[0], Wrel.shape[2]), dtype=h.dtype)
    for r in range(Wrel.shape[0]):
        mask = (edgetypes == r).astype(h.dtype)[:, None]
        m = m + (hs @ Wrel[r]) * mask
    # apply edge norm
    m = m * norm
    # scatter-add aggregation at destination nodes
    agg = jnp.zeros((node_features.shape[0], Wrel.shape[2]), dtype=h.dtype).at[dst].add(m)
    # self-loop + bias + final activation (ReLU)
    out = jax.nn.relu(agg + h @ Wloop + bias)
    return out

if __name__ == "__main__":
    import jax
    _d = setup_inputs()
    print(jax.jit(kernel)(*tuple(_d.values())))

</pallas_src>

<mosaic_0001>
#map = affine_map<(d0, d1) -> (0, 0)>
#map1 = affine_map<(d0, d1) -> (0, 0, 0)>
module attributes {stable_mosaic.version = 14 : i64} {
  func.func @sc_kernel(%arg0: i32, %arg1: i32, %arg2: memref<10000x32xf32, #tpu.memory_space<hbm>>, %arg3: memref<2560x128xi32, #tpu.memory_space<hbm>>, %arg4: memref<2560x128xi32, #tpu.memory_space<hbm>>, %arg5: memref<2560x128xf32, #tpu.memory_space<hbm>>, %arg6: memref<2x40960x32xf32, #tpu.memory_space<hbm>>, %arg7: memref<80x128xi32, #tpu.memory_space<vmem>>, %arg8: memref<80x128xi32, #tpu.memory_space<vmem>>, %arg9: memref<80x128xf32, #tpu.memory_space<vmem>>, %arg10: memref<128x32xf32, #tpu.memory_space<vmem>>, %arg11: memref<128x32xf32, #tpu.memory_space<vmem>>, %arg12: memref<128x32xf32, #tpu.memory_space<vmem>>, %arg13: memref<40960x32xf32, #tpu.memory_space<vmem_shared>>, %arg14: memref<!tpu.dma_semaphore, #tpu.memory_space<semaphore_mem>>, %arg15: memref<!tpu.dma_semaphore, #tpu.memory_space<semaphore_mem>>, %arg16: memref<!tpu.dma_semaphore, #tpu.memory_space<semaphore_mem>>, %arg17: memref<!tpu.dma_semaphore, #tpu.memory_space<semaphore_mem>>) attributes {dimension_semantics = [#tpu.dimension_semantics<core_parallel>, #tpu.dimension_semantics<subcore_parallel>], iteration_bounds = array<i64: 2, 16>, scalar_prefetch = 0 : i64, scratch_operands = 11 : i64, tpu.core_type = #tpu.core_type<sc_vector_subcore>, window_params = [{transform_indices = #map}, {transform_indices = #map}, {transform_indices = #map}, {transform_indices = #map}, {transform_indices = #map1}]} {
    %mul3A = arith.constant 16 : i32
    %mul3A_0 = arith.muli %arg0, %mul3A : i32
    %add3A = arith.addi %mul3A_0, %arg1 : i32
    %mul3A_1 = arith.constant 80 : i32
    %mul3A_2 = arith.muli %add3A, %mul3A_1 : i32
    %dma_start3A = arith.constant 0 : i32
    %dma_start3A_3 = tpu.memref_slice %arg3[%mul3A_2, %dma_start3A] : memref<2560x128xi32, #tpu.memory_space<hbm>> -> memref<80x128xi32, #tpu.memory_space<hbm>>
    %dma_start3A_4 = arith.constant 0 : i32
    %dma_start3A_5 = tpu.memref_slice %arg3[%mul3A_2, %dma_start3A_4] : memref<2560x128xi32, #tpu.memory_space<hbm>> -> memref<80x128xi32, #tpu.memory_space<hbm>>
    tpu.enqueue_dma source(%dma_start3A_5 : memref<80x128xi32, #tpu.memory_space<hbm>>) target(%arg7 : memref<80x128xi32, #tpu.memory_space<vmem>>) target_semaphore(%arg16 : memref<!tpu.dma_semaphore, #tpu.memory_space<semaphore_mem>>)
    %dma_start3A_6 = arith.constant 0 : i32
    %dma_start3A_7 = tpu.memref_slice %arg4[%mul3A_2, %dma_start3A_6] : memref<2560x128xi32, #tpu.memory_space<hbm>> -> memref<80x128xi32, #tpu.memory_space<hbm>>
    %dma_start3A_8 = arith.constant 0 : i32
    %dma_start3A_9 = tpu.memref_slice %arg4[%mul3A_2, %dma_start3A_8] : memref<2560x128xi32, #tpu.memory_space<hbm>> -> memref<80x128xi32, #tpu.memory_space<hbm>>
    tpu.enqueue_dma source(%dma_start3A_9 : memref<80x128xi32, #tpu.memory_space<hbm>>) target(%arg8 : memref<80x128xi32, #tpu.memory_space<vmem>>) target_semaphore(%arg16 : memref<!tpu.dma_semaphore, #tpu.memory_space<semaphore_mem>>)
    %dma_start3A_10 = arith.constant 0 : i32
    %dma_start3A_11 = tpu.memref_slice %arg5[%mul3A_2, %dma_start3A_10] : memref<2560x128xf32, #tpu.memory_space<hbm>> -> memref<80x128xf32, #tpu.memory_space<hbm>>
    %dma_start3A_12 = arith.constant 0 : i32
    %dma_start3A_13 = tpu.memref_slice %arg5[%mul3A_2, %dma_start3A_12] : memref<2560x128xf32, #tpu.memory_space<hbm>> -> memref<80x128xf32, #tpu.memory_space<hbm>>
    tpu.enqueue_dma source(%dma_start3A_13 : memref<80x128xf32, #tpu.memory_space<hbm>>) target(%arg9 : memref<80x128xf32, #tpu.memory_space<vmem>>) target_semaphore(%arg17 : memref<!tpu.dma_semaphore, #tpu.memory_space<semaphore_mem>>)
    %scan3A = arith.constant 0 : i32
    %scan3A_14 = arith.constant 128 : i32
    %scan3A_15 = arith.addi %scan3A, %scan3A_14 : i32
    %scan3A_16 = arith.constant 1 : i32
    scf.for %scan3A_56 = %scan3A to %scan3A_15 step %scan3A_16  : i32 {
      %mul3A_57 = arith.constant 1 : i32
      %mul3A_58 = arith.muli %scan3A_56, %mul3A_57 : i32
      %add3A_59 = arith.constant 0 : i32
      %add3A_60 = arith.addi %add3A_59, %mul3A_58 : i32
      %broadcast_in_dim3A = arith.constant 0.000000e+00 : f32
      %broadcast_in_dim3A_61 = vector.broadcast %broadcast_in_dim3A : f32 to vector<16xf32>
      %swap3A = arith.index_cast %add3A_60 : i32 to index
      %swap3A_62 = arith.constant 0 : index
      %swap3A_63 = tpu.vector_load %arg12[%swap3A, %swap3A_62] {strides = array<i32>} : memref<128x32xf32, #tpu.memory_space<vmem>>, vector<1x16xf32>,
      %swap3A_64 = vector.shape_cast %swap3A_63 : vector<1x16xf32> to vector<16xf32>
      %swap3A_65 = vector.shape_cast %broadcast_in_dim3A_61 : vector<16xf32> to vector<1x16xf32>
      tpu.vector_store %arg12[%swap3A, %swap3A_62], %swap3A_65 {strides = array<i32>} : memref<128x32xf32, #tpu.memory_space<vmem>>, vector<1x16xf32>,
      %broadcast_in_dim3A_66 = arith.constant 0.000000e+00 : f32
      %broadcast_in_dim3A_67 = vector.broadcast %broadcast_in_dim3A_66 : f32 to vector<16xf32>
      %swap3A_68 = arith.index_cast %add3A_60 : i32 to index
      %swap3A_69 = arith.constant 16 : index
      %swap3A_70 = tpu.vector_load %arg12[%swap3A_68, %swap3A_69] {strides = array<i32>} : memref<128x32xf32, #tpu.memory_space<vmem>>, vector<1x16xf32>,
      %swap3A_71 = vector.shape_cast %swap3A_70 : vector<1x16xf32> to vector<16xf32>
      %swap3A_72 = vector.shape_cast %broadcast_in_dim3A_67 : vector<16xf32> to vector<1x16xf32>
      tpu.vector_store %arg12[%swap3A_68, %swap3A_69], %swap3A_72 {strides = array<i32>} : memref<128x32xf32, #tpu.memory_space<vmem>>, vector<1x16xf32>,
    }
    %scan3A_17 = arith.constant 128 : i32
    %mul3A_18 = arith.constant 2560 : i32
    %mul3A_19 = arith.muli %arg1, %mul3A_18 : i32
    %scan3A_20 = arith.constant 0 : i32
    %scan3A_21 = arith.constant 20 : i32
    %scan3A_22 = arith.addi %scan3A_20, %scan3A_21 : i32
    %scan3A_23 = arith.constant 1 : i32
    scf.for %scan3A_56 = %scan3A_20 to %scan3A_22 step %scan3A_23  : i32 {
      %mul3A_57 = arith.constant 128 : i32
      %mul3A_58 = arith.muli %scan3A_56, %mul3A_57 : i32
      %add3A_59 = arith.constant 0 : i32
      %add3A_60 = arith.addi %add3A_59, %mul3A_58 : i32
      %add3A_61 = arith.addi %mul3A_19, %add3A_60 : i32
      "tpu.region"() ({
        %run_scoped3A = tpu.sem_alloc : memref<!tpu.dma_semaphore, #tpu.memory_space<semaphore_mem>>
        %dma_start3A_62 = arith.constant 0 : i32
        %dma_start3A_63 = tpu.memref_slice %arg13[%add3A_61, %dma_start3A_62] : memref<40960x32xf32, #tpu.memory_space<vmem_shared>> -> memref<128x32xf32, #tpu.memory_space<vmem_shared>>
        %dma_start3A_64 = arith.constant 0 : i32
        %dma_start3A_65 = tpu.memref_slice %arg13[%add3A_61, %dma_start3A_64] : memref<40960x32xf32, #tpu.memory_space<vmem_shared>> -> memref<128x32xf32, #tpu.memory_space<vmem_shared>>
        tpu.enqueue_dma source(%arg12 : memref<128x32xf32, #tpu.memory_space<vmem>>) target(%dma_start3A_65 : memref<128x32xf32, #tpu.memory_space<vmem_shared>>) target_semaphore(%run_scoped3A : memref<!tpu.dma_semaphore, #tpu.memory_space<semaphore_mem>>)
        %dma_wait3A_66 = arith.constant 0 : i32
        %dma_wait3A_67 = tpu.memref_slice %arg13[%add3A_61, %dma_wait3A_66] : memref<40960x32xf32, #tpu.memory_space<vmem_shared>> -> memref<128x32xf32, #tpu.memory_space<vmem_shared>>
        %dma_wait3A_68 = arith.constant 0 : i32
        %dma_wait3A_69 = tpu.memref_slice %arg13[%add3A_61, %dma_wait3A_68] : memref<40960x32xf32, #tpu.memory_space<vmem_shared>> -> memref<128x32xf32, #tpu.memory_space<vmem_shared>>
        tpu.wait_dma2 semaphore(%run_scoped3A : memref<!tpu.dma_semaphore, #tpu.memory_space<semaphore_mem>>) src(%arg12 : memref<128x32xf32, #tpu.memory_space<vmem>>) dst(%dma_wait3A_69 : memref<128x32xf32, #tpu.memory_space<vmem_shared>>)
        tpu.yield
      }) : () -> ()
    }
    %scan3A_24 = arith.constant 20 : i32
    %dma_wait3A = arith.constant 0 : i32
    %dma_wait3A_25 = tpu.memref_slice %arg3[%mul3A_2, %dma_wait3A] : memref<2560x128xi32, #tpu.memory_space<hbm>> -> memref<80x128xi32, #tpu.memory_space<hbm>>
    %dma_wait3A_26 = arith.constant 0 : i32
    %dma_wait3A_27 = tpu.memref_slice %arg3[%mul3A_2, %dma_wait3A_26] : memref<2560x128xi32, #tpu.memory_space<hbm>> -> memref<80x128xi32, #tpu.memory_space<hbm>>
    tpu.wait_dma2 semaphore(%arg16 : memref<!tpu.dma_semaphore, #tpu.memory_space<semaphore_mem>>) src(%dma_wait3A_27 : memref<80x128xi32, #tpu.memory_space<hbm>>) dst(%arg7 : memref<80x128xi32, #tpu.memory_space<vmem>>)
    %dma_wait3A_28 = arith.constant 0 : i32
    %dma_wait3A_29 = tpu.memref_slice %arg4[%mul3A_2, %dma_wait3A_28] : memref<2560x128xi32, #tpu.memory_space<hbm>> -> memref<80x128xi32, #tpu.memory_space<hbm>>
    %dma_wait3A_30 = arith.constant 0 : i32
    %dma_wait3A_31 = tpu.memref_slice %arg4[%mul3A_2, %dma_wait3A_30] : memref<2560x128xi32, #tpu.memory_space<hbm>> -> memref<80x128xi32, #tpu.memory_space<hbm>>
    tpu.wait_dma2 semaphore(%arg16 : memref<!tpu.dma_semaphore, #tpu.memory_space<semaphore_mem>>) src(%dma_wait3A_31 : memref<80x128xi32, #tpu.memory_space<hbm>>) dst(%arg8 : memref<80x128xi32, #tpu.memory_space<vmem>>)
    %dma_wait3A_32 = arith.constant 0 : i32
    %dma_wait3A_33 = tpu.memref_slice %arg5[%mul3A_2, %dma_wait3A_32] : memref<2560x128xf32, #tpu.memory_space<hbm>> -> memref<80x128xf32, #tpu.memory_space<hbm>>
    %dma_wait3A_34 = arith.constant 0 : i32
    %dma_wait3A_35 = tpu.memref_slice %arg5[%mul3A_2, %dma_wait3A_34] : memref<2560x128xf32, #tpu.memory_space<hbm>> -> memref<80x128xf32, #tpu.memory_space<hbm>>
    tpu.wait_dma2 semaphore(%arg17 : memref<!tpu.dma_semaphore, #tpu.memory_space<semaphore_mem>>) src(%dma_wait3A_35 : memref<80x128xf32, #tpu.memory_space<hbm>>) dst(%arg9 : memref<80x128xf32, #tpu.memory_space<vmem>>)
    %barrier3A = arith.constant 0 : index
    tpu.barrier barrier_id(%barrier3A)
    %dma_start3A_36 = arith.constant 0 : i32
    %dma_start3A_37 = arith.constant 0 : i32
    %dma_start3A_38 = tpu.memref_slice %arg7[%dma_start3A_36, %dma_start3A_37] : memref<80x128xi32, #tpu.memory_space<vmem>> -> memref<1x128xi32, #tpu.memory_space<vmem>>
    %dma_start3A_39 = tpu.memref_squeeze %dma_start3A_38 : memref<1x128xi32, #tpu.memory_space<vmem>> -> memref<128xi32, #tpu.memory_space<vmem>>
    %dma_start3A_40 = arith.constant 0 : i32
    %dma_start3A_41 = arith.constant 0 : i32
    %dma_start3A_42 = tpu.memref_slice %arg2[%dma_start3A_40, %dma_start3A_41] : memref<10000x32xf32, #tpu.memory_space<hbm>> -> memref<10000x32xf32, #tpu.memory_space<hbm>>
    tpu.enqueue_indirect_dma source(%dma_start3A_42 : memref<10000x32xf32, #tpu.memory_space<hbm>>) target(%arg10 : memref<128x32xf32, #tpu.memory_space<vmem>>) offsets(%dma_start3A_39 : memref<128xi32, #tpu.memory_space<vmem>>) semaphore(%arg14 : memref<!tpu.dma_semaphore, #tpu.memory_space<semaphore_mem>>)
    %dma_start3A_43 = arith.constant 1 : i32
    %dma_start3A_44 = arith.constant 0 : i32
    %dma_start3A_45 = tpu.memref_slice %arg7[%dma_start3A_43, %dma_start3A_44] : memref<80x128xi32, #tpu.memory_space<vmem>> -> memref<1x128xi32, #tpu.memory_space<vmem>>
    %dma_start3A_46 = tpu.memref_squeeze %dma_start3A_45 : memref<1x128xi32, #tpu.memory_space<vmem>> -> memref<128xi32, #tpu.memory_space<vmem>>
    %dma_start3A_47 = arith.constant 0 : i32
    %dma_start3A_48 = arith.constant 0 : i32
    %dma_start3A_49 = tpu.memref_slice %arg2[%dma_start3A_47, %dma_start3A_48] : memref<10000x32xf32, #tpu.memory_space<hbm>> -> memref<10000x32xf32, #tpu.memory_space<hbm>>
    tpu.enqueue_indirect_dma source(%dma_start3A_49 : memref<10000x32xf32, #tpu.memory_space<hbm>>) target(%arg11 : memref<128x32xf32, #tpu.memory_space<vmem>>) offsets(%dma_start3A_46 : memref<128xi32, #tpu.memory_space<vmem>>) semaphore(%arg15 : memref<!tpu.dma_semaphore, #tpu.memory_space<semaphore_mem>>)
    %scan3A_50 = arith.constant 0 : i32
    %scan3A_51 = arith.constant 40 : i32
    %scan3A_52 = arith.addi %scan3A_50, %scan3A_51 : i32
    %scan3A_53 = arith.constant 1 : i32
    scf.for %scan3A_56 = %scan3A_50 to %scan3A_52 step %scan3A_53  : i32 {
      %mul3A_57 = arith.constant 2 : i32
      %mul3A_58 = arith.muli %scan3A_56, %mul3A_57 : i32
      %add3A_59 = arith.constant 0 : i32
      %add3A_60 = arith.addi %add3A_59, %mul3A_58 : i32
      %dma_wait3A_61 = arith.constant 0 : i32
      %dma_wait3A_62 = tpu.memref_slice %arg7[%add3A_60, %dma_wait3A_61] : memref<80x128xi32, #tpu.memory_space<vmem>> -> memref<1x128xi32, #tpu.memory_space<vmem>>
      %dma_wait3A_63 = tpu.memref_squeeze %dma_wait3A_62 : memref<1x128xi32, #tpu.memory_space<vmem>> -> memref<128xi32, #tpu.memory_space<vmem>>
      %dma_wait3A_64 = arith.constant 0 : i32
      %dma_wait3A_65 = arith.constant 0 : i32
      %dma_wait3A_66 = tpu.memref_slice %arg2[%dma_wait3A_64, %dma_wait3A_65] : memref<10000x32xf32, #tpu.memory_space<hbm>> -> memref<10000x32xf32, #tpu.memory_space<hbm>>
      tpu.wait_indirect_dma semaphore(%arg14 : memref<!tpu.dma_semaphore, #tpu.memory_space<semaphore_mem>>) src(%dma_wait3A_66 : memref<10000x32xf32, #tpu.memory_space<hbm>>) dst(%arg10 : memref<128x32xf32, #tpu.memory_space<vmem>>)
      %scan3A_67 = arith.constant 0 : i32
      %scan3A_68 = arith.constant 8 : i32
      %scan3A_69 = arith.addi %scan3A_67, %scan3A_68 : i32
      %scan3A_70 = arith.constant 1 : i32
      scf.for %scan3A_126 = %scan3A_67 to %scan3A_69 step %scan3A_70  : i32 {
        %mul3A_127 = arith.constant 16 : i32
        %mul3A_128 = arith.muli %scan3A_126, %mul3A_127 : i32
        %add3A_129 = arith.constant 0 : i32
        %add3A_130 = arith.addi %add3A_129, %mul3A_128 : i32
        %get3A = arith.index_cast %add3A_60 : i32 to index
        %get3A_131 = arith.index_cast %add3A_130 : i32 to index
        %get3A_132 = tpu.vector_load %arg9[%get3A, %get3A_131] {strides = array<i32>} : memref<80x128xf32, #tpu.memory_space<vmem>>, vector<1x16xf32>,
        %get3A_133 = vector.shape_cast %get3A_132 : vector<1x16xf32> to vector<16xf32>
        %slice3A = vector.extract_strided_slice %get3A_133 {offsets = [0], sizes = [1], strides = [1]} : vector<16xf32> to vector<1xf32>
        %squeeze3A = vector.extract %slice3A[0] : f32 from vector<1xf32>
        %add3A_134 = arith.constant 0 : i32
        %add3A_135 = arith.addi %add3A_130, %add3A_134 : i32
        %get3A_136 = arith.index_cast %add3A_135 : i32 to index
        %get3A_137 = arith.constant 0 : index
        %get3A_138 = tpu.vector_load %arg10[%get3A_136, %get3A_137] {strides = array<i32>} : memref<128x32xf32, #tpu.memory_space<vmem>>, vector<1x16xf32>,
        %get3A_139 = vector.shape_cast %get3A_138 : vector<1x16xf32> to vector<16xf32>
        %mul3A_140 = vector.broadcast %squeeze3A : f32 to vector<16xf32>
        %mul3A_141 = arith.mulf %get3A_139, %mul3A_140 : vector<16xf32>
        %add3A_142 = arith.constant 0 : i32
        %add3A_143 = arith.addi %add3A_130, %add3A_142 : i32
        %swap3A = arith.index_cast %add3A_143 : i32 to index
        %swap3A_144 = arith.constant 0 : index
        %swap3A_145 = tpu.vector_load %arg10[%swap3A, %swap3A_144] {strides = array<i32>} : memref<128x32xf32, #tpu.memory_space<vmem>>, vector<1x16xf32>,
        %swap3A_146 = vector.shape_cast %swap3A_145 : vector<1x16xf32> to vector<16xf32>
        %swap3A_147 = vector.shape_cast %mul3A_141 : vector<16xf32> to vector<1x16xf32>
        tpu.vector_store %arg10[%swap3A, %swap3A_144], %swap3A_147 {strides = array<i32>} : memref<128x32xf32, #tpu.memory_space<vmem>>, vector<1x16xf32>,
        %add3A_148 = arith.constant 0 : i32
        %add3A_149 = arith.addi %add3A_130, %add3A_148 : i32
        %get3A_150 = arith.index_cast %add3A_149 : i32 to index
        %get3A_151 = arith.constant 16 : index
        %get3A_152 = tpu.vector_load %arg10[%get3A_150, %get3A_151] {strides = array<i32>} : memref<128x32xf32, #tpu.memory_space<vmem>>, vector<1x16xf32>,
        %get3A_153 = vector.shape_cast %get3A_152 : vector<1x16xf32> to vector<16xf32>
        %mul3A_154 = vector.broadcast %squeeze3A : f32 to vector<16xf32>
        %mul3A_155 = arith.mulf %get3A_153, %mul3A_154 : vector<16xf32>
        %add3A_156 = arith.constant 0 : i32
        %add3A_157 = arith.addi %add3A_130, %add3A_156 : i32
        %swap3A_158 = arith.index_cast %add3A_157 : i32 to index
        %swap3A_159 = arith.constant 16 : index
        %swap3A_160 = tpu.vector_load %arg10[%swap3A_158, %swap3A_159] {strides = array<i32>} : memref<128x32xf32, #tpu.memory_space<vmem>>, vector<1x16xf32>,
        %swap3A_161 = vector.shape_cast %swap3A_160 : vector<1x16xf32> to vector<16xf32>
        %swap3A_162 = vector.shape_cast %mul3A_155 : vector<16xf32> to vector<1x16xf32>
        tpu.vector_store %arg10[%swap3A_158, %swap3A_159], %swap3A_162 {strides = array<i32>} : memref<128x32xf32, #tpu.memory_space<vmem>>, vector<1x16xf32>,
        %slice3A_163 = vector.extract_strided_slice %get3A_133 {offsets = [1], sizes = [1], strides = [1]} : vector<16xf32> to vector<1xf32>
        %squeeze3A_164 = vector.extract %slice3A_163[0] : f32 from vector<1xf32>
        %add3A_165 = arith.constant 1 : i32
        %add3A_166 = arith.addi %add3A_130, %add3A_165 : i32
        %get3A_167 = arith.index_cast %add3A_166 : i32 to index
        %get3A_168 = arith.constant 0 : index
        %get3A_169 = tpu.vector_load %arg10[%get3A_167, %get3A_168] {strides = array<i32>} : memref<128x32xf32, #tpu.memory_space<vmem>>, vector<1x16xf32>,
        %get3A_170 = vector.shape_cast %get3A_169 : vector<1x16xf32> to vector<16xf32>
        %mul3A_171 = vector.broadcast %squeeze3A_164 : f32 to vector<16xf32>
        %mul3A_172 = arith.mulf %get3A_170, %mul3A_171 : vector<16xf32>
        %add3A_173 = arith.constant 1 : i32
        %add3A_174 = arith.addi %add3A_130, %add3A_173 : i32
        %swap3A_175 = arith.index_cast %add3A_174 : i32 to index
        %swap3A_176 = arith.constant 0 : index
        %swap3A_177 = tpu.vector_load %arg10[%swap3A_175, %swap3A_176] {strides = array<i32>} : memref<128x32xf32, #tpu.memory_space<vmem>>, vector<1x16xf32>,
        %swap3A_178 = vector.shape_cast %swap3A_177 : vector<1x16xf32> to vector<16xf32>
        %swap3A_179 = vector.shape_cast %mul3A_172 : vector<16xf32> to vector<1x16xf32>
        tpu.vector_store %arg10[%swap3A_175, %swap3A_176], %swap3A_179 {strides = array<i32>} : memref<128x32xf32, #tpu.memory_space<vmem>>, vector<1x16xf32>,
        %add3A_180 = arith.constant 1 : i32
        %add3A_181 = arith.addi %add3A_130, %add3A_180 : i32
        %get3A_182 = arith.index_cast %add3A_181 : i32 to index
        %get3A_183 = arith.constant 16 : index
        %get3A_184 = tpu.vector_load %arg10[%get3A_182, %get3A_183] {strides = array<i32>} : memref<128x32xf32, #tpu.memory_space<vmem>>, vector<1x16xf32>,
        %get3A_185 = vector.shape_cast %get3A_184 : vector<1x16xf32> to vector<16xf32>
        %mul3A_186 = vector.broadcast %squeeze3A_164 : f32 to vector<16xf32>
        %mul3A_187 = arith.mulf %get3A_185, %mul3A_186 : vector<16xf32>
        %add3A_188 = arith.constant 1 : i32
        %add3A_189 = arith.addi %add3A_130, %add3A_188 : i32
        %swap3A_190 = arith.index_cast %add3A_189 : i32 to index
        %swap3A_191 = arith.constant 16 : index
        %swap3A_192 = tpu.vector_load %arg10[%swap3A_190, %swap3A_191] {strides = array<i32>} : memref<128x32xf32, #tpu.memory_space<vmem>>, vector<1x16xf32>,
        %swap3A_193 = vector.shape_cast %swap3A_192 : vector<1x16xf32> to vector<16xf32>
        %swap3A_194 = vector.shape_cast %mul3A_187 : vector<16xf32> to vector<1x16xf32>
        tpu.vector_store %arg10[%swap3A_190, %swap3A_191], %swap3A_194 {strides = array<i32>} : memref<128x32xf32, #tpu.memory_space<vmem>>, vector<1x16xf32>,
        %slice3A_195 = vector.extract_strided_slice %get3A_133 {offsets = [2], sizes = [1], strides = [1]} : vector<16xf32> to vector<1xf32>
        %squeeze3A_196 = vector.extract %slice3A_195[0] : f32 from vector<1xf32>
        %add3A_197 = arith.constant 2 : i32
        %add3A_198 = arith.addi %add3A_130, %add3A_197 : i32
        %get3A_199 = arith.index_cast %add3A_198 : i32 to index
        %get3A_200 = arith.constant 0 : index
        %get3A_201 = tpu.vector_load %arg10[%get3A_199, %get3A_200] {strides = array<i32>} : memref<128x32xf32, #tpu.memory_space<vmem>>, vector<1x16xf32>,
        %get3A_202 = vector.shape_cast %get3A_201 : vector<1x16xf32> to vector<16xf32>
        %mul3A_203 = vector.broadcast %squeeze3A_196 : f32 to vector<16xf32>
        %mul3A_204 = arith.mulf %get3A_202, %mul3A_203 : vector<16xf32>
        %add3A_205 = arith.constant 2 : i32
        %add3A_206 = arith.addi %add3A_130, %add3A_205 : i32
        %swap3A_207 = arith.index_cast %add3A_206 : i32 to index
        %swap3A_208 = arith.constant 0 : index
        %swap3A_209 = tpu.vector_load %arg10[%swap3A_207, %swap3A_208] {strides = array<i32>} : memref<128x32xf32, #tpu.memory_space<vmem>>, vector<1x16xf32>,
        %swap3A_210 = vector.shape_cast %swap3A_209 : vector<1x16xf32> to vector<16xf32>
        %swap3A_211 = vector.shape_cast %mul3A_204 : vector<16xf32> to vector<1x16xf32>
        tpu.vector_store %arg10[%swap3A_207, %swap3A_208], %swap3A_211 {strides = array<i32>} : memref<128x32xf32, #tpu.memory_space<vmem>>, vector<1x16xf32>,
        %add3A_212 = arith.constant 2 : i32
        %add3A_213 = arith.addi %add3A_130, %add3A_212 : i32
        %get3A_214 = arith.index_cast %add3A_213 : i32 to index
        %get3A_215 = arith.constant 16 : index
        %get3A_216 = tpu.vector_load %arg10[%get3A_214, %get3A_215] {strides = array<i32>} : memref<128x32xf32, #tpu.memory_space<vmem>>, vector<1x16xf32>,
        %get3A_217 = vector.shape_cast %get3A_216 : vector<1x16xf32> to vector<16xf32>
        %mul3A_218 = vector.broadcast %squeeze3A_196 : f32 to vector<16xf32>
        %mul3A_219 = arith.mulf %get3A_217, %mul3A_218 : vector<16xf32>
        %add3A_220 = arith.constant 2 : i32
        %add3A_221 = arith.addi %add3A_130, %add3A_220 : i32
        %swap3A_222 = arith.index_cast %add3A_221 : i32 to index
        %swap3A_223 = arith.constant 16 : index
        %swap3A_224 = tpu.vector_load %arg10[%swap3A_222, %swap3A_223] {strides = array<i32>} : memref<128x32xf32, #tpu.memory_space<vmem>>, vector<1x16xf32>,
        %swap3A_225 = vector.shape_cast %swap3A_224 : vector<1x16xf32> to vector<16xf32>
        %swap3A_226 = vector.shape_cast %mul3A_219 : vector<16xf32> to vector<1x16xf32>
        tpu.vector_store %arg10[%swap3A_222, %swap3A_223], %swap3A_226 {strides = array<i32>} : memref<128x32xf32, #tpu.memory_space<vmem>>, vector<1x16xf32>,
        %slice3A_227 = vector.extract_strided_slice %get3A_133 {offsets = [3], sizes = [1], strides = [1]} : vector<16xf32> to vector<1xf32>
        %squeeze3A_228 = vector.extract %slice3A_227[0] : f32 from vector<1xf32>
        %add3A_229 = arith.constant 3 : i32
        %add3A_230 = arith.addi %add3A_130, %add3A_229 : i32
        %get3A_231 = arith.index_cast %add3A_230 : i32 to index
        %get3A_232 = arith.constant 0 : index
        %get3A_233 = tpu.vector_load %arg10[%get3A_231, %get3A_232] {strides = array<i32>} : memref<128x32xf32, #tpu.memory_space<vmem>>, vector<1x16xf32>,
        %get3A_234 = vector.shape_cast %get3A_233 : vector<1x16xf32> to vector<16xf32>
        %mul3A_235 = vector.broadcast %squeeze3A_228 : f32 to vector<16xf32>
        %mul3A_236 = arith.mulf %get3A_234, %mul3A_235 : vector<16xf32>
        %add3A_237 = arith.constant 3 : i32
        %add3A_238 = arith.addi %add3A_130, %add3A_237 : i32
        %swap3A_239 = arith.index_cast %add3A_238 : i32 to index
        %swap3A_240 = arith.constant 0 : index
        %swap3A_241 = tpu.vector_load %arg10[%swap3A_239, %swap3A_240] {strides = array<i32>} : memref<128x32xf32, #tpu.memory_space<vmem>>, vector<1x16xf32>,
        %swap3A_242 = vector.shape_cast %swap3A_241 : vector<1x16xf32> to vector<16xf32>
        %swap3A_243 = vector.shape_cast %mul3A_236 : vector<16xf32> to vector<1x16xf32>
        tpu.vector_store %arg10[%swap3A_239, %swap3A_240], %swap3A_243 {strides = array<i32>} : memref<128x32xf32, #tpu.memory_space<vmem>>, vector<1x16xf32>,
        %add3A_244 = arith.constant 3 : i32
        %add3A_245 = arith.addi %add3A_130, %add3A_244 : i32
        %get3A_246 = arith.index_cast %add3A_245 : i32 to index
        %get3A_247 = arith.constant 16 : index
        %get3A_248 = tpu.vector_load %arg10[%get3A_246, %get3A_247] {strides = array<i32>} : memref<128x32xf32, #tpu.memory_space<vmem>>, vector<1x16xf32>,
        %get3A_249 = vector.shape_cast %get3A_248 : vector<1x16xf32> to vector<16xf32>
        %mul3A_250 = vector.broadcast %squeeze3A_228 : f32 to vector<16xf32>
        %mul3A_251 = arith.mulf %get3A_249, %mul3A_250 : vector<16xf32>
        %add3A_252 = arith.constant 3 : i32
        %add3A_253 = arith.addi %add3A_130, %add3A_252 : i32
        %swap3A_254 = arith.index_cast %add3A_253 : i32 to index
        %swap3A_255 = arith.constant 16 : index
        %swap3A_256 = tpu.vector_load %arg10[%swap3A_254, %swap3A_255] {strides = array<i32>} : memref<128x32xf32, #tpu.memory_space<vmem>>, vector<1x16xf32>,
        %swap3A_257 = vector.shape_cast %swap3A_256 : vector<1x16xf32> to vector<16xf32>
        %swap3A_258 = vector.shape_cast %mul3A_251 : vector<16xf32> to vector<1x16xf32>
        tpu.vector_store %arg10[%swap3A_254, %swap3A_255], %swap3A_258 {strides = array<i32>} : memref<128x32xf32, #tpu.memory_space<vmem>>, vector<1x16xf32>,
        %slice3A_259 = vector.extract_strided_slice %get3A_133 {offsets = [4], sizes = [1], strides = [1]} : vector<16xf32> to vector<1xf32>
        %squeeze3A_260 = vector.extract %slice3A_259[0] : f32 from vector<1xf32>
        %add3A_261 = arith.constant 4 : i32
        %add3A_262 = arith.addi %add3A_130, %add3A_261 : i32
        %get3A_263 = arith.index_cast %add3A_262 : i32 to index
        %get3A_264 = arith.constant 0 : index
        %get3A_265 = tpu.vector_load %arg10[%get3A_263, %get3A_264] {strides = array<i32>} : memref<128x32xf32, #tpu.memory_space<vmem>>, vector<1x16xf32>,
        %get3A_266 = vector.shape_cast %get3A_265 : vector<1x16xf32> to vector<16xf32>
        %mul3A_267 = vector.broadcast %squeeze3A_260 : f32 to vector<16xf32>
        %mul3A_268 = arith.mulf %get3A_266, %mul3A_267 : vector<16xf32>
        %add3A_269 = arith.constant 4 : i32
        %add3A_270 = arith.addi %add3A_130, %add3A_269 : i32
        %swap3A_271 = arith.index_cast %add3A_270 : i32 to index
        %swap3A_272 = arith.constant 0 : index
        %swap3A_273 = tpu.vector_load %arg10[%swap3A_271, %swap3A_272] {strides = array<i32>} : memref<128x32xf32, #tpu.memory_space<vmem>>, vector<1x16xf32>,
        %swap3A_274 = vector.shape_cast %swap3A_273 : vector<1x16xf32> to vector<16xf32>
        %swap3A_275 = vector.shape_cast %mul3A_268 : vector<16xf32> to vector<1x16xf32>
        tpu.vector_store %arg10[%swap3A_271, %swap3A_272], %swap3A_275 {strides = array<i32>} : memref<128x32xf32, #tpu.memory_space<vmem>>, vector<1x16xf32>,
        %add3A_276 = arith.constant 4 : i32
        %add3A_277 = arith.addi %add3A_130, %add3A_276 : i32
        %get3A_278 = arith.index_cast %add3A_277 : i32 to index
        %get3A_279 = arith.constant 16 : index
        %get3A_280 = tpu.vector_load %arg10[%get3A_278, %get3A_279] {strides = array<i32>} : memref<128x32xf32, #tpu.memory_space<vmem>>, vector<1x16xf32>,
        %get3A_281 = vector.shape_cast %get3A_280 : vector<1x16xf32> to vector<16xf32>
        %mul3A_282 = vector.broadcast %squeeze3A_260 : f32 to vector<16xf32>
        %mul3A_283 = arith.mulf %get3A_281, %mul3A_282 : vector<16xf32>
        %add3A_284 = arith.constant 4 : i32
        %add3A_285 = arith.addi %add3A_130, %add3A_284 : i32
        %swap3A_286 = arith.index_cast %add3A_285 : i32 to index
        %swap3A_287 = arith.constant 16 : index
        %swap3A_288 = tpu.vector_load %arg10[%swap3A_286, %swap3A_287] {strides = array<i32>} : memref<128x32xf32, #tpu.memory_space<vmem>>, vector<1x16xf32>,
        %swap3A_289 = vector.shape_cast %swap3A_288 : vector<1x16xf32> to vector<16xf32>
        %swap3A_290 = vector.shape_cast %mul3A_283 : vector<16xf32> to vector<1x16xf32>
        tpu.vector_store %arg10[%swap3A_286, %swap3A_287], %swap3A_290 {strides = array<i32>} : memref<128x32xf32, #tpu.memory_space<vmem>>, vector<1x16xf32>,
        %slice3A_291 = vector.extract_strided_slice %get3A_133 {offsets = [5], sizes = [1], strides = [1]} : vector<16xf32> to vector<1xf32>
        %squeeze3A_292 = vector.extract %slice3A_291[0] : f32 from vector<1xf32>
        %add3A_293 = arith.constant 5 : i32
        %add3A_294 = arith.addi %add3A_130, %add3A_293 : i32
        %get3A_295 = arith.index_cast %add3A_294 : i32 to index
        %get3A_296 = arith.constant 0 : index
        %get3A_297 = tpu.vector_load %arg10[%get3A_295, %get3A_296] {strides = array<i32>} : memref<128x32xf32, #tpu.memory_space<vmem>>, vector<1x16xf32>,
        %get3A_298 = vector.shape_cast %get3A_297 : vector<1x16xf32> to vector<16xf32>
        %mul3A_299 = vector.broadcast %squeeze3A_292 : f32 to vector<16xf32>
        %mul3A_300 = arith.mulf %get3A_298, %mul3A_299 : vector<16xf32>
        %add3A_301 = arith.constant 5 : i32
        %add3A_302 = arith.addi %add3A_130, %add3A_301 : i32
        %swap3A_303 = arith.index_cast %add3A_302 : i32 to index
        %swap3A_304 = arith.constant 0 : index
        %swap3A_305 = tpu.vector_load %arg10[%swap3A_303, %swap3A_304] {strides = array<i32>} : memref<128x32xf32, #tpu.memory_space<vmem>>, vector<1x16xf32>,
        %swap3A_306 = vector.shape_cast %swap3A_305 : vector<1x16xf32> to vector<16xf32>
        %swap3A_307 = vector.shape_cast %mul3A_300 : vector<16xf32> to vector<1x16xf32>
        tpu.vector_store %arg10[%swap3A_303, %swap3A_304], %swap3A_307 {strides = array<i32>} : memref<128x32xf32, #tpu.memory_space<vmem>>, vector<1x16xf32>,
        %add3A_308 = arith.constant 5 : i32
        %add3A_309 = arith.addi %add3A_130, %add3A_308 : i32
        %get3A_310 = arith.index_cast %add3A_309 : i32 to index
        %get3A_311 = arith.constant 16 : index
        %get3A_312 = tpu.vector_load %arg10[%get3A_310, %get3A_311] {strides = array<i32>} : memref<128x32xf32, #tpu.memory_space<vmem>>, vector<1x16xf32>,
        %get3A_313 = vector.shape_cast %get3A_312 : vector<1x16xf32> to vector<16xf32>
        %mul3A_314 = vector.broadcast %squeeze3A_292 : f32 to vector<16xf32>
        %mul3A_315 = arith.mulf %get3A_313, %mul3A_314 : vector<16xf32>
        %add3A_316 = arith.constant 5 : i32
        %add3A_317 = arith.addi %add3A_130, %add3A_316 : i32
        %swap3A_318 = arith.index_cast %add3A_317 : i32 to index
        %swap3A_319 = arith.constant 16 : index
        %swap3A_320 = tpu.vector_load %arg10[%swap3A_318, %swap3A_319] {strides = array<i32>} : memref<128x32xf32, #tpu.memory_space<vmem>>, vector<1x16xf32>,
        %swap3A_321 = vector.shape_cast %swap3A_320 : vector<1x16xf32> to vector<16xf32>
        %swap3A_322 = vector.shape_cast %mul3A_315 : vector<16xf32> to vector<1x16xf32>
        tpu.vector_store %arg10[%swap3A_318, %swap3A_319], %swap3A_322 {strides = array<i32>} : memref<128x32xf32, #tpu.memory_space<vmem>>, vector<1x16xf32>,
        %slice3A_323 = vector.extract_strided_slice %get3A_133 {offsets = [6], sizes = [1], strides = [1]} : vector<16xf32> to vector<1xf32>
        %squeeze3A_324 = vector.extract %slice3A_323[0] : f32 from vector<1xf32>
        %add3A_325 = arith.constant 6 : i32
        %add3A_326 = arith.addi %add3A_130, %add3A_325 : i32
        %get3A_327 = arith.index_cast %add3A_326 : i32 to index
        %get3A_328 = arith.constant 0 : index
        %get3A_329 = tpu.vector_load %arg10[%get3A_327, %get3A_328] {strides = array<i32>} : memref<128x32xf32, #tpu.memory_space<vmem>>, vector<1x16xf32>,
        %get3A_330 = vector.shape_cast %get3A_329 : vector<1x16xf32> to vector<16xf32>
        %mul3A_331 = vector.broadcast %squeeze3A_324 : f32 to vector<16xf32>
        %mul3A_332 = arith.mulf %get3A_330, %mul3A_331 : vector<16xf32>
        %add3A_333 = arith.constant 6 : i32
        %add3A_334 = arith.addi %add3A_130, %add3A_333 : i32
        %swap3A_335 = arith.index_cast %add3A_334 : i32 to index
        %swap3A_336 = arith.constant 0 : index
        %swap3A_337 = tpu.vector_load %arg10[%swap3A_335, %swap3A_336] {strides = array<i32>} : memref<128x32xf32, #tpu.memory_space<vmem>>, vector<1x16xf32>,
        %swap3A_338 = vector.shape_cast %swap3A_337 : vector<1x16xf32> to vector<16xf32>
        %swap3A_339 = vector.shape_cast %mul3A_332 : vector<16xf32> to vector<1x16xf32>
        tpu.vector_store %arg10[%swap3A_335, %swap3A_336], %swap3A_339 {strides = array<i32>} : memref<128x32xf32, #tpu.memory_space<vmem>>, vector<1x16xf32>,
        %add3A_340 = arith.constant 6 : i32
        %add3A_341 = arith.addi %add3A_130, %add3A_340 : i32
        %get3A_342 = arith.index_cast %add3A_341 : i32 to index
        %get3A_343 = arith.constant 16 : index
        %get3A_344 = tpu.vector_load %arg10[%get3A_342, %get3A_343] {strides = array<i32>} : memref<128x32xf32, #tpu.memory_space<vmem>>, vector<1x16xf32>,
        %get3A_345 = vector.shape_cast %get3A_344 : vector<1x16xf32> to vector<16xf32>
        %mul3A_346 = vector.broadcast %squeeze3A_324 : f32 to vector<16xf32>
        %mul3A_347 = arith.mulf %get3A_345, %mul3A_346 : vector<16xf32>
        %add3A_348 = arith.constant 6 : i32
        %add3A_349 = arith.addi %add3A_130, %add3A_348 : i32
        %swap3A_350 = arith.index_cast %add3A_349 : i32 to index
        %swap3A_351 = arith.constant 16 : index
        %swap3A_352 = tpu.vector_load %arg10[%swap3A_350, %swap3A_351] {strides = array<i32>} : memref<128x32xf32, #tpu.memory_space<vmem>>, vector<1x16xf32>,
        %swap3A_353 = vector.shape_cast %swap3A_352 : vector<1x16xf32> to vector<16xf32>
        %swap3A_354 = vector.shape_cast %mul3A_347 : vector<16xf32> to vector<1x16xf32>
        tpu.vector_store %arg10[%swap3A_350, %swap3A_351], %swap3A_354 {strides = array<i32>} : memref<128x32xf32, #tpu.memory_space<vmem>>, vector<1x16xf32>,
        %slice3A_355 = vector.extract_strided_slice %get3A_133 {offsets = [7], sizes = [1], strides = [1]} : vector<16xf32> to vector<1xf32>
        %squeeze3A_356 = vector.extract %slice3A_355[0] : f32 from vector<1xf32>
        %add3A_357 = arith.constant 7 : i32
        %add3A_358 = arith.addi %add3A_130, %add3A_357 : i32
        %get3A_359 = arith.index_cast %add3A_358 : i32 to index
        %get3A_360 = arith.constant 0 : index
        %get3A_361 = tpu.vector_load %arg10[%get3A_359, %get3A_360] {strides = array<i32>} : memref<128x32xf32, #tpu.memory_space<vmem>>, vector<1x16xf32>,
        %get3A_362 = vector.shape_cast %get3A_361 : vector<1x16xf32> to vector<16xf32>
        %mul3A_363 = vector.broadcast %squeeze3A_356 : f32 to vector<16xf32>
        %mul3A_364 = arith.mulf %get3A_362, %mul3A_363 : vector<16xf32>
        %add3A_365 = arith.constant 7 : i32
        %add3A_366 = arith.addi %add3A_130, %add3A_365 : i32
        %swap3A_367 = arith.index_cast %add3A_366 : i32 to index
        %swap3A_368 = arith.constant 0 : index
        %swap3A_369 = tpu.vector_load %arg10[%swap3A_367, %swap3A_368] {strides = array<i32>} : memref<128x32xf32, #tpu.memory_space<vmem>>, vector<1x16xf32>,
        %swap3A_370 = vector.shape_cast %swap3A_369 : vector<1x16xf32> to vector<16xf32>
        %swap3A_371 = vector.shape_cast %mul3A_364 : vector<16xf32> to vector<1x16xf32>
        tpu.vector_store %arg10[%swap3A_367, %swap3A_368], %swap3A_371 {strides = array<i32>} : memref<128x32xf32, #tpu.memory_space<vmem>>, vector<1x16xf32>,
        %add3A_372 = arith.constant 7 : i32
        %add3A_373 = arith.addi %add3A_130, %add3A_372 : i32
        %get3A_374 = arith.index_cast %add3A_373 : i32 to index
        %get3A_375 = arith.constant 16 : index
        %get3A_376 = tpu.vector_load %arg10[%get3A_374, %get3A_375] {strides = array<i32>} : memref<128x32xf32, #tpu.memory_space<vmem>>, vector<1x16xf32>,
        %get3A_377 = vector.shape_cast %get3A_376 : vector<1x16xf32> to vector<16xf32>
        %mul3A_378 = vector.broadcast %squeeze3A_356 : f32 to vector<16xf32>
        %mul3A_379 = arith.mulf %get3A_377, %mul3A_378 : vector<16xf32>
        %add3A_380 = arith.constant 7 : i32
        %add3A_381 = arith.addi %add3A_130, %add3A_380 : i32
        %swap3A_382 = arith.index_cast %add3A_381 : i32 to index
        %swap3A_383 = arith.constant 16 : index
        %swap3A_384 = tpu.vector_load %arg10[%swap3A_382, %swap3A_383] {strides = array<i32>} : memref<128x32xf32, #tpu.memory_space<vmem>>, vector<1x16xf32>,
        %swap3A_385 = vector.shape_cast %swap3A_384 : vector<1x16xf32> to vector<16xf32>
        %swap3A_386 = vector.shape_cast %mul3A_379 : vector<16xf32> to vector<1x16xf32>
        tpu.vector_store %arg10[%swap3A_382, %swap3A_383], %swap3A_386 {strides = array<i32>} : memref<128x32xf32, #tpu.memory_space<vmem>>, vector<1x16xf32>,
        %slice3A_387 = vector.extract_strided_slice %get3A_133 {offsets = [8], sizes = [1], strides = [1]} : vector<16xf32> to vector<1xf32>
        %squeeze3A_388 = vector.extract %slice3A_387[0] : f32 from vector<1xf32>
        %add3A_389 = arith.constant 8 : i32
        %add3A_390 = arith.addi %add3A_130, %add3A_389 : i32
        %get3A_391 = arith.index_cast %add3A_390 : i32 to index
        %get3A_392 = arith.constant 0 : index
        %get3A_393 = tpu.vector_load %arg10[%get3A_391, %get3A_392] {strides = array<i32>} : memref<128x32xf32, #tpu.memory_space<vmem>>, vector<1x16xf32>,
        %get3A_394 = vector.shape_cast %get3A_393 : vector<1x16xf32> to vector<16xf32>
        %mul3A_395 = vector.broadcast %squeeze3A_388 : f32 to vector<16xf32>
        %mul3A_396 = arith.mulf %get3A_394, %mul3A_395 : vector<16xf32>
        %add3A_397 = arith.constant 8 : i32
        %add3A_398 = arith.addi %add3A_130, %add3A_397 : i32
        %swap3A_399 = arith.index_cast %add3A_398 : i32 to index
        %swap3A_400 = arith.constant 0 : index
        %swap3A_401 = tpu.vector_load %arg10[%swap3A_399, %swap3A_400] {strides = array<i32>} : memref<128x32xf32, #tpu.memory_space<vmem>>, vector<1x16xf32>,
        %swap3A_402 = vector.shape_cast %swap3A_401 : vector<1x16xf32> to vector<16xf32>
        %swap3A_403 = vector.shape_cast %mul3A_396 : vector<16xf32> to vector<1x16xf32>
        tpu.vector_store %arg10[%swap3A_399, %swap3A_400], %swap3A_403 {strides = array<i32>} : memref<128x32xf32, #tpu.memory_space<vmem>>, vector<1x16xf32>,
        %add3A_404 = arith.constant 8 : i32
        %add3A_405 = arith.addi %add3A_130, %add3A_404 : i32
        %get3A_406 = arith.index_cast %add3A_405 : i32 to index
        %get3A_407 = arith.constant 16 : index
        %get3A_408 = tpu.vector_load %arg10[%get3A_406, %get3A_407] {strides = array<i32>} : memref<128x32xf32, #tpu.memory_space<vmem>>, vector<1x16xf32>,
        %get3A_409 = vector.shape_cast %get3A_408 : vector<1x16xf32> to vector<16xf32>
        %mul3A_410 = vector.broadcast %squeeze3A_388 : f32 to vector<16xf32>
        %mul3A_411 = arith.mulf %get3A_409, %mul3A_410 : vector<16xf32>
        %add3A_412 = arith.constant 8 : i32
        %add3A_413 = arith.addi %add3A_130, %add3A_412 : i32
        %swap3A_414 = arith.index_cast %add3A_413 : i32 to index
        %swap3A_415 = arith.constant 16 : index
        %swap3A_416 = tpu.vector_load %arg10[%swap3A_414, %swap3A_415] {strides = array<i32>} : memref<128x32xf32, #tpu.memory_space<vmem>>, vector<1x16xf32>,
        %swap3A_417 = vector.shape_cast %swap3A_416 : vector<1x16xf32> to vector<16xf32>
        %swap3A_418 = vector.shape_cast %mul3A_411 : vector<16xf32> to vector<1x16xf32>
        tpu.vector_store %arg10[%swap3A_414, %swap3A_415], %swap3A_418 {strides = array<i32>} : memref<128x32xf32, #tpu.memory_space<vmem>>, vector<1x16xf32>,
        %slice3A_419 = vector.extract_strided_slice %get3A_133 {offsets = [9], sizes = [1], strides = [1]} : vector<16xf32> to vector<1xf32>
        %squeeze3A_420 = vector.extract %slice3A_419[0] : f32 from vector<1xf32>
        %add3A_421 = arith.constant 9 : i32
        %add3A_422 = arith.addi %add3A_130, %add3A_421 : i32
        %get3A_423 = arith.index_cast %add3A_422 : i32 to index
        %get3A_424 = arith.constant 0 : index
        %get3A_425 = tpu.vector_load %arg10[%get3A_423, %get3A_424] {strides = array<i32>} : memref<128x32xf32, #tpu.memory_space<vmem>>, vector<1x16xf32>,
        %get3A_426 = vector.shape_cast %get3A_425 : vector<1x16xf32> to vector<16xf32>
        %mul3A_427 = vector.broadcast %squeeze3A_420 : f32 to vector<16xf32>
        %mul3A_428 = arith.mulf %get3A_426, %mul3A_427 : vector<16xf32>
        %add3A_429 = arith.constant 9 : i32
        %add3A_430 = arith.addi %add3A_130, %add3A_429 : i32
        %swap3A_431 = arith.index_cast %add3A_430 : i32 to index
        %swap3A_432 = arith.constant 0 : index
        %swap3A_433 = tpu.vector_load %arg10[%swap3A_431, %swap3A_432] {strides = array<i32>} : memref<128x32xf32, #tpu.memory_space<vmem>>, vector<1x16xf32>,
        %swap3A_434 = vector.shape_cast %swap3A_433 : vector<1x16xf32> to vector<16xf32>
        %swap3A_435 = vector.shape_cast %mul3A_428 : vector<16xf32> to vector<1x16xf32>
        tpu.vector_store %arg10[%swap3A_431, %swap3A_432], %swap3A_435 {strides = array<i32>} : memref<128x32xf32, #tpu.memory_space<vmem>>, vector<1x16xf32>,
        %add3A_436 = arith.constant 9 : i32
        %add3A_437 = arith.addi %add3A_130, %add3A_436 : i32
        %get3A_438 = arith.index_cast %add3A_437 : i32 to index
        %get3A_439 = arith.constant 16 : index
        %get3A_440 = tpu.vector_load %arg10[%get3A_438, %get3A_439] {strides = array<i32>} : memref<128x32xf32, #tpu.memory_space<vmem>>, vector<1x16xf32>,
        %get3A_441 = vector.shape_cast %get3A_440 : vector<1x16xf32> to vector<16xf32>
        %mul3A_442 = vector.broadcast %squeeze3A_420 : f32 to vector<16xf32>
        %mul3A_443 = arith.mulf %get3A_441, %mul3A_442 : vector<16xf32>
        %add3A_444 = arith.constant 9 : i32
        %add3A_445 = arith.addi %add3A_130, %add3A_444 : i32
        %swap3A_446 = arith.index_cast %add3A_445 : i32 to index
        %swap3A_447 = arith.constant 16 : index
        %swap3A_448 = tpu.vector_load %arg10[%swap3A_446, %swap3A_447] {strides = array<i32>} : memref<128x32xf32, #tpu.memory_space<vmem>>, vector<1x16xf32>,
        %swap3A_449 = vector.shape_cast %swap3A_448 : vector<1x16xf32> to vector<16xf32>
        %swap3A_450 = vector.shape_cast %mul3A_443 : vector<16xf32> to vector<1x16xf32>
        tpu.vector_store %arg10[%swap3A_446, %swap3A_447], %swap3A_450 {strides = array<i32>} : memref<128x32xf32, #tpu.memory_space<vmem>>, vector<1x16xf32>,
        %slice3A_451 = vector.extract_strided_slice %get3A_133 {offsets = [10], sizes = [1], strides = [1]} : vector<16xf32> to vector<1xf32>
        %squeeze3A_452 = vector.extract %slice3A_451[0] : f32 from vector<1xf32>
        %add3A_453 = arith.constant 10 : i32
        %add3A_454 = arith.addi %add3A_130, %add3A_453 : i32
        %get3A_455 = arith.index_cast %add3A_454 : i32 to index
        %get3A_456 = arith.constant 0 : index
        %get3A_457 = tpu.vector_load %arg10[%get3A_455, %get3A_456] {strides = array<i32>} : memref<128x32xf32, #tpu.memory_space<vmem>>, vector<1x16xf32>,
        %get3A_458 = vector.shape_cast %get3A_457 : vector<1x16xf32> to vector<16xf32>
        %mul3A_459 = vector.broadcast %squeeze3A_452 : f32 to vector<16xf32>
        %mul3A_460 = arith.mulf %get3A_458, %mul3A_459 : vector<16xf32>
        %add3A_461 = arith.constant 10 : i32
        %add3A_462 = arith.addi %add3A_130, %add3A_461 : i32
        %swap3A_463 = arith.index_cast %add3A_462 : i32 to index
        %swap3A_464 = arith.constant 0 : index
        %swap3A_465 = tpu.vector_load %arg10[%swap3A_463, %swap3A_464] {strides = array<i32>} : memref<128x32xf32, #tpu.memory_space<vmem>>, vector<1x16xf32>,
        %swap3A_466 = vector.shape_cast %swap3A_465 : vector<1x16xf32> to vector<16xf32>
        %swap3A_467 = vector.shape_cast %mul3A_460 : vector<16xf32> to vector<1x16xf32>
        tpu.vector_store %arg10[%swap3A_463, %swap3A_464], %swap3A_467 {strides = array<i32>} : memref<128x32xf32, #tpu.memory_space<vmem>>, vector<1x16xf32>,
        %add3A_468 = arith.constant 10 : i32
        %add3A_469 = arith.addi %add3A_130, %add3A_468 : i32
        %get3A_470 = arith.index_cast %add3A_469 : i32 to index
        %get3A_471 = arith.constant 16 : index
        %get3A_472 = tpu.vector_load %arg10[%get3A_470, %get3A_471] {strides = array<i32>} : memref<128x32xf32, #tpu.memory_space<vmem>>, vector<1x16xf32>,
        %get3A_473 = vector.shape_cast %get3A_472 : vector<1x16xf32> to vector<16xf32>
        %mul3A_474 = vector.broadcast %squeeze3A_452 : f32 to vector<16xf32>
        %mul3A_475 = arith.mulf %get3A_473, %mul3A_474 : vector<16xf32>
        %add3A_476 = arith.constant 10 : i32
        %add3A_477 = arith.addi %add3A_130, %add3A_476 : i32
        %swap3A_478 = arith.index_cast %add3A_477 : i32 to index
        %swap3A_479 = arith.constant 16 : index
        %swap3A_480 = tpu.vector_load %arg10[%swap3A_478, %swap3A_479] {strides = array<i32>} : memref<128x32xf32, #tpu.memory_space<vmem>>, vector<1x16xf32>,
        %swap3A_481 = vector.shape_cast %swap3A_480 : vector<1x16xf32> to vector<16xf32>
        %swap3A_482 = vector.shape_cast %mul3A_475 : vector<16xf32> to vector<1x16xf32>
        tpu.vector_store %arg10[%swap3A_478, %swap3A_479], %swap3A_482 {strides = array<i32>} : memref<128x32xf32, #tpu.memory_space<vmem>>, vector<1x16xf32>,
        %slice3A_483 = vector.extract_strided_slice %get3A_133 {offsets = [11], sizes = [1], strides = [1]} : vector<16xf32> to vector<1xf32>
        %squeeze3A_484 = vector.extract %slice3A_483[0] : f32 from vector<1xf32>
        %add3A_485 = arith.constant 11 : i32
        %add3A_486 = arith.addi %add3A_130, %add3A_485 : i32
        %get3A_487 = arith.index_cast %add3A_486 : i32 to index
        %get3A_488 = arith.constant 0 : index
        %get3A_489 = tpu.vector_load %arg10[%get3A_487, %get3A_488] {strides = array<i32>} : memref<128x32xf32, #tpu.memory_space<vmem>>, vector<1x16xf32>,
        %get3A_490 = vector.shape_cast %get3A_489 : vector<1x16xf32> to vector<16xf32>
        %mul3A_491 = vector.broadcast %squeeze3A_484 : f32 to vector<16xf32>
        %mul3A_492 = arith.mulf %get3A_490, %mul3A_491 : vector<16xf32>
        %add3A_493 = arith.constant 11 : i32
        %add3A_494 = arith.addi %add3A_130, %add3A_493 : i32
        %swap3A_495 = arith.index_cast %add3A_494 : i32 to index
        %swap3A_496 = arith.constant 0 : index
        %swap3A_497 = tpu.vector_load %arg10[%swap3A_495, %swap3A_496] {strides = array<i32>} : memref<128x32xf32, #tpu.memory_space<vmem>>, vector<1x16xf32>,
        %swap3A_498 = vector.shape_cast %swap3A_497 : vector<1x16xf32> to vector<16xf32>
        %swap3A_499 = vector.shape_cast %mul3A_492 : vector<16xf32> to vector<1x16xf32>
        tpu.vector_store %arg10[%swap3A_495, %swap3A_496], %swap3A_499 {strides = array<i32>} : memref<128x32xf32, #tpu.memory_space<vmem>>, vector<1x16xf32>,
        %add3A_500 = arith.constant 11 : i32
        %add3A_501 = arith.addi %add3A_130, %add3A_500 : i32
        %get3A_502 = arith.index_cast %add3A_501 : i32 to index
        %get3A_503 = arith.constant 16 : index
        %get3A_504 = tpu.vector_load %arg10[%get3A_502, %get3A_503] {strides = array<i32>} : memref<128x32xf32, #tpu.memory_space<vmem>>, vector<1x16xf32>,
        %get3A_505 = vector.shape_cast %get3A_504 : vector<1x16xf32> to vector<16xf32>
        %mul3A_506 = vector.broadcast %squeeze3A_484 : f32 to vector<16xf32>
        %mul3A_507 = arith.mulf %get3A_505, %mul3A_506 : vector<16xf32>
        %add3A_508 = arith.constant 11 : i32
        %add3A_509 = arith.addi %add3A_130, %add3A_508 : i32
        %swap3A_510 = arith.index_cast %add3A_509 : i32 to index
        %swap3A_511 = arith.constant 16 : index
        %swap3A_512 = tpu.vector_load %arg10[%swap3A_510, %swap3A_511] {strides = array<i32>} : memref<128x32xf32, #tpu.memory_space<vmem>>, vector<1x16xf32>,
        %swap3A_513 = vector.shape_cast %swap3A_512 : vector<1x16xf32> to vector<16xf32>
        %swap3A_514 = vector.shape_cast %mul3A_507 : vector<16xf32> to vector<1x16xf32>
        tpu.vector_store %arg10[%swap3A_510, %swap3A_511], %swap3A_514 {strides = array<i32>} : memref<128x32xf32, #tpu.memory_space<vmem>>, vector<1x16xf32>,
        %slice3A_515 = vector.extract_strided_slice %get3A_133 {offsets = [12], sizes = [1], strides = [1]} : vector<16xf32> to vector<1xf32>
        %squeeze3A_516 = vector.extract %slice3A_515[0] : f32 from vector<1xf32>
        %add3A_517 = arith.constant 12 : i32
        %add3A_518 = arith.addi %add3A_130, %add3A_517 : i32
        %get3A_519 = arith.index_cast %add3A_518 : i32 to index
        %get3A_520 = arith.constant 0 : index
        %get3A_521 = tpu.vector_load %arg10[%get3A_519, %get3A_520] {strides = array<i32>} : memref<128x32xf32, #tpu.memory_space<vmem>>, vector<1x16xf32>,
        %get3A_522 = vector.shape_cast %get3A_521 : vector<1x16xf32> to vector<16xf32>
        %mul3A_523 = vector.broadcast %squeeze3A_516 : f32 to vector<16xf32>
        %mul3A_524 = arith.mulf %get3A_522, %mul3A_523 : vector<16xf32>
        %add3A_525 = arith.constant 12 : i32
        %add3A_526 = arith.addi %add3A_130, %add3A_525 : i32
        %swap3A_527 = arith.index_cast %add3A_526 : i32 to index
        %swap3A_528 = arith.constant 0 : index
        %swap3A_529 = tpu.vector_load %arg10[%swap3A_527, %swap3A_528] {strides = array<i32>} : memref<128x32xf32, #tpu.memory_space<vmem>>, vector<1x16xf32>,
        %swap3A_530 = vector.shape_cast %swap3A_529 : vector<1x16xf32> to vector<16xf32>
        %swap3A_531 = vector.shape_cast %mul3A_524 : vector<16xf32> to vector<1x16xf32>
        tpu.vector_store %arg10[%swap3A_527, %swap3A_528], %swap3A_531 {strides = array<i32>} : memref<128x32xf32, #tpu.memory_space<vmem>>, vector<1x16xf32>,
        %add3A_532 = arith.constant 12 : i32
        %add3A_533 = arith.addi %add3A_130, %add3A_532 : i32
        %get3A_534 = arith.index_cast %add3A_533 : i32 to index
        %get3A_535 = arith.constant 16 : index
        %get3A_536 = tpu.vector_load %arg10[%get3A_534, %get3A_535] {strides = array<i32>} : memref<128x32xf32, #tpu.memory_space<vmem>>, vector<1x16xf32>,
        %get3A_537 = vector.shape_cast %get3A_536 : vector<1x16xf32> to vector<16xf32>
        %mul3A_538 = vector.broadcast %squeeze3A_516 : f32 to vector<16xf32>
        %mul3A_539 = arith.mulf %get3A_537, %mul3A_538 : vector<16xf32>
        %add3A_540 = arith.constant 12 : i32
        %add3A_541 = arith.addi %add3A_130, %add3A_540 : i32
        %swap3A_542 = arith.index_cast %add3A_541 : i32 to index
        %swap3A_543 = arith.constant 16 : index
        %swap3A_544 = tpu.vector_load %arg10[%swap3A_542, %swap3A_543] {strides = array<i32>} : memref<128x32xf32, #tpu.memory_space<vmem>>, vector<1x16xf32>,
        %swap3A_545 = vector.shape_cast %swap3A_544 : vector<1x16xf32> to vector<16xf32>
        %swap3A_546 = vector.shape_cast %mul3A_539 : vector<16xf32> to vector<1x16xf32>
        tpu.vector_store %arg10[%swap3A_542, %swap3A_543], %swap3A_546 {strides = array<i32>} : memref<128x32xf32, #tpu.memory_space<vmem>>, vector<1x16xf32>,
        %slice3A_547 = vector.extract_strided_slice %get3A_133 {offsets = [13], sizes = [1], strides = [1]} : vector<16xf32> to vector<1xf32>
        %squeeze3A_548 = vector.extract %slice3A_547[0] : f32 from vector<1xf32>
        %add3A_549 = arith.constant 13 : i32
        %add3A_550 = arith.addi %add3A_130, %add3A_549 : i32
        %get3A_551 = arith.index_cast %add3A_550 : i32 to index
        %get3A_552 = arith.constant 0 : index
        %get3A_553 = tpu.vector_load %arg10[%get3A_551, %get3A_552] {strides = array<i32>} : memref<128x32xf32, #tpu.memory_space<vmem>>, vector<1x16xf32>,
        %get3A_554 = vector.shape_cast %get3A_553 : vector<1x16xf32> to vector<16xf32>
        %mul3A_555 = vector.broadcast %squeeze3A_548 : f32 to vector<16xf32>
        %mul3A_556 = arith.mulf %get3A_554, %mul3A_555 : vector<16xf32>
        %add3A_557 = arith.constant 13 : i32
        %add3A_558 = arith.addi %add3A_130, %add3A_557 : i32
        %swap3A_559 = arith.index_cast %add3A_558 : i32 to index
        %swap3A_560 = arith.constant 0 : index
        %swap3A_561 = tpu.vector_load %arg10[%swap3A_559, %swap3A_560] {strides = array<i32>} : memref<128x32xf32, #tpu.memory_space<vmem>>, vector<1x16xf32>,
        %swap3A_562 = vector.shape_cast %swap3A_561 : vector<1x16xf32> to vector<16xf32>
        %swap3A_563 = vector.shape_cast %mul3A_556 : vector<16xf32> to vector<1x16xf32>
        tpu.vector_store %arg10[%swap3A_559, %swap3A_560], %swap3A_563 {strides = array<i32>} : memref<128x32xf32, #tpu.memory_space<vmem>>, vector<1x16xf32>,
        %add3A_564 = arith.constant 13 : i32
        %add3A_565 = arith.addi %add3A_130, %add3A_564 : i32
        %get3A_566 = arith.index_cast %add3A_565 : i32 to index
        %get3A_567 = arith.constant 16 : index
        %get3A_568 = tpu.vector_load %arg10[%get3A_566, %get3A_567] {strides = array<i32>} : memref<128x32xf32, #tpu.memory_space<vmem>>, vector<1x16xf32>,
        %get3A_569 = vector.shape_cast %get3A_568 : vector<1x16xf32> to vector<16xf32>
        %mul3A_570 = vector.broadcast %squeeze3A_548 : f32 to vector<16xf32>
        %mul3A_571 = arith.mulf %get3A_569, %mul3A_570 : vector<16xf32>
        %add3A_572 = arith.constant 13 : i32
        %add3A_573 = arith.addi %add3A_130, %add3A_572 : i32
        %swap3A_574 = arith.index_cast %add3A_573 : i32 to index
        %swap3A_575 = arith.constant 16 : index
        %swap3A_576 = tpu.vector_load %arg10[%swap3A_574, %swap3A_575] {strides = array<i32>} : memref<128x32xf32, #tpu.memory_space<vmem>>, vector<1x16xf32>,
        %swap3A_577 = vector.shape_cast %swap3A_576 : vector<1x16xf32> to vector<16xf32>
        %swap3A_578 = vector.shape_cast %mul3A_571 : vector<16xf32> to vector<1x16xf32>
        tpu.vector_store %arg10[%swap3A_574, %swap3A_575], %swap3A_578 {strides = array<i32>} : memref<128x32xf32, #tpu.memory_space<vmem>>, vector<1x16xf32>,
        %slice3A_579 = vector.extract_strided_slice %get3A_133 {offsets = [14], sizes = [1], strides = [1]} : vector<16xf32> to vector<1xf32>
        %squeeze3A_580 = vector.extract %slice3A_579[0] : f32 from vector<1xf32>
        %add3A_581 = arith.constant 14 : i32
        %add3A_582 = arith.addi %add3A_130, %add3A_581 : i32
        %get3A_583 = arith.index_cast %add3A_582 : i32 to index
        %get3A_584 = arith.constant 0 : index
        %get3A_585 = tpu.vector_load %arg10[%get3A_583, %get3A_584] {strides = array<i32>} : memref<128x32xf32, #tpu.memory_space<vmem>>, vector<1x16xf32>,
        %get3A_586 = vector.shape_cast %get3A_585 : vector<1x16xf32> to vector<16xf32>
        %mul3A_587 = vector.broadcast %squeeze3A_580 : f32 to vector<16xf32>
        %mul3A_588 = arith.mulf %get3A_586, %mul3A_587 : vector<16xf32>
        %add3A_589 = arith.constant 14 : i32
        %add3A_590 = arith.addi %add3A_130, %add3A_589 : i32
        %swap3A_591 = arith.index_cast %add3A_590 : i32 to index
        %swap3A_592 = arith.constant 0 : index
        %swap3A_593 = tpu.vector_load %arg10[%swap3A_591, %swap3A_592] {strides = array<i32>} : memref<128x32xf32, #tpu.memory_space<vmem>>, vector<1x16xf32>,
        %swap3A_594 = vector.shape_cast %swap3A_593 : vector<1x16xf32> to vector<16xf32>
        %swap3A_595 = vector.shape_cast %mul3A_588 : vector<16xf32> to vector<1x16xf32>
        tpu.vector_store %arg10[%swap3A_591, %swap3A_592], %swap3A_595 {strides = array<i32>} : memref<128x32xf32, #tpu.memory_space<vmem>>, vector<1x16xf32>,
        %add3A_596 = arith.constant 14 : i32
        %add3A_597 = arith.addi %add3A_130, %add3A_596 : i32
        %get3A_598 = arith.index_cast %add3A_597 : i32 to index
        %get3A_599 = arith.constant 16 : index
        %get3A_600 = tpu.vector_load %arg10[%get3A_598, %get3A_599] {strides = array<i32>} : memref<128x32xf32, #tpu.memory_space<vmem>>, vector<1x16xf32>,
        %get3A_601 = vector.shape_cast %get3A_600 : vector<1x16xf32> to vector<16xf32>
        %mul3A_602 = vector.broadcast %squeeze3A_580 : f32 to vector<16xf32>
        %mul3A_603 = arith.mulf %get3A_601, %mul3A_602 : vector<16xf32>
        %add3A_604 = arith.constant 14 : i32
        %add3A_605 = arith.addi %add3A_130, %add3A_604 : i32
        %swap3A_606 = arith.index_cast %add3A_605 : i32 to index
        %swap3A_607 = arith.constant 16 : index
        %swap3A_608 = tpu.vector_load %arg10[%swap3A_606, %swap3A_607] {strides = array<i32>} : memref<128x32xf32, #tpu.memory_space<vmem>>, vector<1x16xf32>,
        %swap3A_609 = vector.shape_cast %swap3A_608 : vector<1x16xf32> to vector<16xf32>
        %swap3A_610 = vector.shape_cast %mul3A_603 : vector<16xf32> to vector<1x16xf32>
        tpu.vector_store %arg10[%swap3A_606, %swap3A_607], %swap3A_610 {strides = array<i32>} : memref<128x32xf32, #tpu.memory_space<vmem>>, vector<1x16xf32>,
        %slice3A_611 = vector.extract_strided_slice %get3A_133 {offsets = [15], sizes = [1], strides = [1]} : vector<16xf32> to vector<1xf32>
        %squeeze3A_612 = vector.extract %slice3A_611[0] : f32 from vector<1xf32>
        %add3A_613 = arith.constant 15 : i32
        %add3A_614 = arith.addi %add3A_130, %add3A_613 : i32
        %get3A_615 = arith.index_cast %add3A_614 : i32 to index
        %get3A_616 = arith.constant 0 : index
        %get3A_617 = tpu.vector_load %arg10[%get3A_615, %get3A_616] {strides = array<i32>} : memref<128x32xf32, #tpu.memory_space<vmem>>, vector<1x16xf32>,
        %get3A_618 = vector.shape_cast %get3A_617 : vector<1x16xf32> to vector<16xf32>
        %mul3A_619 = vector.broadcast %squeeze3A_612 : f32 to vector<16xf32>
        %mul3A_620 = arith.mulf %get3A_618, %mul3A_619 : vector<16xf32>
        %add3A_621 = arith.constant 15 : i32
        %add3A_622 = arith.addi %add3A_130, %add3A_621 : i32
        %swap3A_623 = arith.index_cast %add3A_622 : i32 to index
        %swap3A_624 = arith.constant 0 : index
        %swap3A_625 = tpu.vector_load %arg10[%swap3A_623, %swap3A_624] {strides = array<i32>} : memref<128x32xf32, #tpu.memory_space<vmem>>, vector<1x16xf32>,
        %swap3A_626 = vector.shape_cast %swap3A_625 : vector<1x16xf32> to vector<16xf32>
        %swap3A_627 = vector.shape_cast %mul3A_620 : vector<16xf32> to vector<1x16xf32>
        tpu.vector_store %arg10[%swap3A_623, %swap3A_624], %swap3A_627 {strides = array<i32>} : memref<128x32xf32, #tpu.memory_space<vmem>>, vector<1x16xf32>,
        %add3A_628 = arith.constant 15 : i32
        %add3A_629 = arith.addi %add3A_130, %add3A_628 : i32
        %get3A_630 = arith.index_cast %add3A_629 : i32 to index
        %get3A_631 = arith.constant 16 : index
        %get3A_632 = tpu.vector_load %arg10[%get3A_630, %get3A_631] {strides = array<i32>} : memref<128x32xf32, #tpu.memory_space<vmem>>, vector<1x16xf32>,
        %get3A_633 = vector.shape_cast %get3A_632 : vector<1x16xf32> to vector<16xf32>
        %mul3A_634 = vector.broadcast %squeeze3A_612 : f32 to vector<16xf32>
        %mul3A_635 = arith.mulf %get3A_633, %mul3A_634 : vector<16xf32>
        %add3A_636 = arith.constant 15 : i32
        %add3A_637 = arith.addi %add3A_130, %add3A_636 : i32
        %swap3A_638 = arith.index_cast %add3A_637 : i32 to index
        %swap3A_639 = arith.constant 16 : index
        %swap3A_640 = tpu.vector_load %arg10[%swap3A_638, %swap3A_639] {strides = array<i32>} : memref<128x32xf32, #tpu.memory_space<vmem>>, vector<1x16xf32>,
        %swap3A_641 = vector.shape_cast %swap3A_640 : vector<1x16xf32> to vector<16xf32>
        %swap3A_642 = vector.shape_cast %mul3A_635 : vector<16xf32> to vector<1x16xf32>
        tpu.vector_store %arg10[%swap3A_638, %swap3A_639], %swap3A_642 {strides = array<i32>} : memref<128x32xf32, #tpu.memory_space<vmem>>, vector<1x16xf32>,
      }
      %scan3A_71 = arith.constant 8 : i32
      %dma_start3A_72 = arith.constant 0 : i32
      %dma_start3A_73 = tpu.memref_slice %arg8[%add3A_60, %dma_start3A_72] : memref<80x128xi32, #tpu.memory_space<vmem>> -> memref<1x128xi32, #tpu.memory_space<vmem>>
      %dma_start3A_74 = tpu.memref_squeeze %dma_start3A_73 : memref<1x128xi32, #tpu.memory_space<vmem>> -> memref<128xi32, #tpu.memory_space<vmem>>
      %dma_start3A_75 = arith.constant 0 : i32
      %dma_start3A_76 = arith.constant 0 : i32
      %dma_start3A_77 = tpu.memref_slice %arg13[%dma_start3A_75, %dma_start3A_76] : memref<40960x32xf32, #tpu.memory_space<vmem_shared>> -> memref<40960x32xf32, #tpu.memory_space<vmem_shared>>
      tpu.enqueue_indirect_dma source(%arg10 : memref<128x32xf32, #tpu.memory_space<vmem>>) target(%dma_start3A_77 : memref<40960x32xf32, #tpu.memory_space<vmem_shared>>) offsets(%dma_start3A_74 : memref<128xi32, #tpu.memory_space<vmem>>) semaphore(%arg16 : memref<!tpu.dma_semaphore, #tpu.memory_space<semaphore_mem>>) {add = true}
      %add3A_78 = arith.constant 1 : i32
      %add3A_79 = arith.addi %add3A_60, %add3A_78 : i32
      %dma_wait3A_80 = arith.constant 0 : i32
      %dma_wait3A_81 = tpu.memref_slice %arg7[%add3A_79, %dma_wait3A_80] : memref<80x128xi32, #tpu.memory_space<vmem>> -> memref<1x128xi32, #tpu.memory_space<vmem>>
      %dma_wait3A_82 = tpu.memref_squeeze %dma_wait3A_81 : memref<1x128xi32, #tpu.memory_space<vmem>> -> memref<128xi32, #tpu.memory_space<vmem>>
      %dma_wait3A_83 = arith.constant 0 : i32
      %dma_wait3A_84 = arith.constant 0 : i32
      %dma_wait3A_85 = tpu.memref_slice %arg2[%dma_wait3A_83, %dma_wait3A_84] : memref<10000x32xf32, #tpu.memory_space<hbm>> -> memref<10000x32xf32, #tpu.memory_space<hbm>>
      tpu.wait_indirect_dma semaphore(%arg15 : memref<!tpu.dma_semaphore, #tpu.memory_space<semaphore_mem>>) src(%dma_wait3A_85 : memref<10000x32xf32, #tpu.memory_space<hbm>>) dst(%arg11 : memref<128x32xf32, #tpu.memory_space<vmem>>)
      %add3A_86 = arith.constant 1 : i32
      %add3A_87 = arith.addi %add3A_60, %add3A_86 : i32
      %scan3A_88 = arith.constant 0 : i32
      %scan3A_89 = arith.constant 8 : i32
      %scan3A_90 = arith.addi %scan3A_88, %scan3A_89 : i32
      %scan3A_91 = arith.constant 1 : i32
      scf.for %scan3A_126 = %scan3A_88 to %scan3A_90 step %scan3A_91  : i32 {
        %mul3A_127 = arith.constant 16 : i32
        %mul3A_128 = arith.muli %scan3A_126, %mul3A_127 : i32
        %add3A_129 = arith.constant 0 : i32
        %add3A_130 = arith.addi %add3A_129, %mul3A_128 : i32
        %get3A = arith.index_cast %add3A_87 : i32 to index
        %get3A_131 = arith.index_cast %add3A_130 : i32 to index
        %get3A_132 = tpu.vector_load %arg9[%get3A, %get3A_131] {strides = array<i32>} : memref<80x128xf32, #tpu.memory_space<vmem>>, vector<1x16xf32>,
        %get3A_133 = vector.shape_cast %get3A_132 : vector<1x16xf32> to vector<16xf32>
        %slice3A = vector.extract_strided_slice %get3A_133 {offsets = [0], sizes = [1], strides = [1]} : vector<16xf32> to vector<1xf32>
        %squeeze3A = vector.extract %slice3A[0] : f32 from vector<1xf32>
        %add3A_134 = arith.constant 0 : i32
        %add3A_135 = arith.addi %add3A_130, %add3A_134 : i32
        %get3A_136 = arith.index_cast %add3A_135 : i32 to index
        %get3A_137 = arith.constant 0 : index
        %get3A_138 = tpu.vector_load %arg11[%get3A_136, %get3A_137] {strides = array<i32>} : memref<128x32xf32, #tpu.memory_space<vmem>>, vector<1x16xf32>,
        %get3A_139 = vector.shape_cast %get3A_138 : vector<1x16xf32> to vector<16xf32>
        %mul3A_140 = vector.broadcast %squeeze3A : f32 to vector<16xf32>
        %mul3A_141 = arith.mulf %get3A_139, %mul3A_140 : vector<16xf32>
        %add3A_142 = arith.constant 0 : i32
        %add3A_143 = arith.addi %add3A_130, %add3A_142 : i32
        %swap3A = arith.index_cast %add3A_143 : i32 to index
        %swap3A_144 = arith.constant 0 : index
        %swap3A_145 = tpu.vector_load %arg11[%swap3A, %swap3A_144] {strides = array<i32>} : memref<128x32xf32, #tpu.memory_space<vmem>>, vector<1x16xf32>,
        %swap3A_146 = vector.shape_cast %swap3A_145 : vector<1x16xf32> to vector<16xf32>
        %swap3A_147 = vector.shape_cast %mul3A_141 : vector<16xf32> to vector<1x16xf32>
        tpu.vector_store %arg11[%swap3A, %swap3A_144], %swap3A_147 {strides = array<i32>} : memref<128x32xf32, #tpu.memory_space<vmem>>, vector<1x16xf32>,
        %add3A_148 = arith.constant 0 : i32
        %add3A_149 = arith.addi %add3A_130, %add3A_148 : i32
        %get3A_150 = arith.index_cast %add3A_149 : i32 to index
        %get3A_151 = arith.constant 16 : index
        %get3A_152 = tpu.vector_load %arg11[%get3A_150, %get3A_151] {strides = array<i32>} : memref<128x32xf32, #tpu.memory_space<vmem>>, vector<1x16xf32>,
        %get3A_153 = vector.shape_cast %get3A_152 : vector<1x16xf32> to vector<16xf32>
        %mul3A_154 = vector.broadcast %squeeze3A : f32 to vector<16xf32>
        %mul3A_155 = arith.mulf %get3A_153, %mul3A_154 : vector<16xf32>
        %add3A_156 = arith.constant 0 : i32
        %add3A_157 = arith.addi %add3A_130, %add3A_156 : i32
        %swap3A_158 = arith.index_cast %add3A_157 : i32 to index
        %swap3A_159 = arith.constant 16 : index
        %swap3A_160 = tpu.vector_load %arg11[%swap3A_158, %swap3A_159] {strides = array<i32>} : memref<128x32xf32, #tpu.memory_space<vmem>>, vector<1x16xf32>,
        %swap3A_161 = vector.shape_cast %swap3A_160 : vector<1x16xf32> to vector<16xf32>
        %swap3A_162 = vector.shape_cast %mul3A_155 : vector<16xf32> to vector<1x16xf32>
        tpu.vector_store %arg11[%swap3A_158, %swap3A_159], %swap3A_162 {strides = array<i32>} : memref<128x32xf32, #tpu.memory_space<vmem>>, vector<1x16xf32>,
        %slice3A_163 = vector.extract_strided_slice %get3A_133 {offsets = [1], sizes = [1], strides = [1]} : vector<16xf32> to vector<1xf32>
        %squeeze3A_164 = vector.extract %slice3A_163[0] : f32 from vector<1xf32>
        %add3A_165 = arith.constant 1 : i32
        %add3A_166 = arith.addi %add3A_130, %add3A_165 : i32
        %get3A_167 = arith.index_cast %add3A_166 : i32 to index
        %get3A_168 = arith.constant 0 : index
        %get3A_169 = tpu.vector_load %arg11[%get3A_167, %get3A_168] {strides = array<i32>} : memref<128x32xf32, #tpu.memory_space<vmem>>, vector<1x16xf32>,
        %get3A_170 = vector.shape_cast %get3A_169 : vector<1x16xf32> to vector<16xf32>
        %mul3A_171 = vector.broadcast %squeeze3A_164 : f32 to vector<16xf32>
        %mul3A_172 = arith.mulf %get3A_170, %mul3A_171 : vector<16xf32>
        %add3A_173 = arith.constant 1 : i32
        %add3A_174 = arith.addi %add3A_130, %add3A_173 : i32
        %swap3A_175 = arith.index_cast %add3A_174 : i32 to index
        %swap3A_176 = arith.constant 0 : index
        %swap3A_177 = tpu.vector_load %arg11[%swap3A_175, %swap3A_176] {strides = array<i32>} : memref<128x32xf32, #tpu.memory_space<vmem>>, vector<1x16xf32>,
        %swap3A_178 = vector.shape_cast %swap3A_177 : vector<1x16xf32> to vector<16xf32>
        %swap3A_179 = vector.shape_cast %mul3A_172 : vector<16xf32> to vector<1x16xf32>
        tpu.vector_store %arg11[%swap3A_175, %swap3A_176], %swap3A_179 {strides = array<i32>} : memref<128x32xf32, #tpu.memory_space<vmem>>, vector<1x16xf32>,
        %add3A_180 = arith.constant 1 : i32
        %add3A_181 = arith.addi %add3A_130, %add3A_180 : i32
        %get3A_182 = arith.index_cast %add3A_181 : i32 to index
        %get3A_183 = arith.constant 16 : index
        %get3A_184 = tpu.vector_load %arg11[%get3A_182, %get3A_183] {strides = array<i32>} : memref<128x32xf32, #tpu.memory_space<vmem>>, vector<1x16xf32>,
        %get3A_185 = vector.shape_cast %get3A_184 : vector<1x16xf32> to vector<16xf32>
        %mul3A_186 = vector.broadcast %squeeze3A_164 : f32 to vector<16xf32>
        %mul3A_187 = arith.mulf %get3A_185, %mul3A_186 : vector<16xf32>
        %add3A_188 = arith.constant 1 : i32
        %add3A_189 = arith.addi %add3A_130, %add3A_188 : i32
        %swap3A_190 = arith.index_cast %add3A_189 : i32 to index
        %swap3A_191 = arith.constant 16 : index
        %swap3A_192 = tpu.vector_load %arg11[%swap3A_190, %swap3A_191] {strides = array<i32>} : memref<128x32xf32, #tpu.memory_space<vmem>>, vector<1x16xf32>,
        %swap3A_193 = vector.shape_cast %swap3A_192 : vector<1x16xf32> to vector<16xf32>
        %swap3A_194 = vector.shape_cast %mul3A_187 : vector<16xf32> to vector<1x16xf32>
        tpu.vector_store %arg11[%swap3A_190, %swap3A_191], %swap3A_194 {strides = array<i32>} : memref<128x32xf32, #tpu.memory_space<vmem>>, vector<1x16xf32>,
        %slice3A_195 = vector.extract_strided_slice %get3A_133 {offsets = [2], sizes = [1], strides = [1]} : vector<16xf32> to vector<1xf32>
        %squeeze3A_196 = vector.extract %slice3A_195[0] : f32 from vector<1xf32>
        %add3A_197 = arith.constant 2 : i32
        %add3A_198 = arith.addi %add3A_130, %add3A_197 : i32
        %get3A_199 = arith.index_cast %add3A_198 : i32 to index
        %get3A_200 = arith.constant 0 : index
        %get3A_201 = tpu.vector_load %arg11[%get3A_199, %get3A_200] {strides = array<i32>} : memref<128x32xf32, #tpu.memory_space<vmem>>, vector<1x16xf32>,
        %get3A_202 = vector.shape_cast %get3A_201 : vector<1x16xf32> to vector<16xf32>
        %mul3A_203 = vector.broadcast %squeeze3A_196 : f32 to vector<16xf32>
        %mul3A_204 = arith.mulf %get3A_202, %mul3A_203 : vector<16xf32>
        %add3A_205 = arith.constant 2 : i32
        %add3A_206 = arith.addi %add3A_130, %add3A_205 : i32
        %swap3A_207 = arith.index_cast %add3A_206 : i32 to index
        %swap3A_208 = arith.constant 0 : index
        %swap3A_209 = tpu.vector_load %arg11[%swap3A_207, %swap3A_208] {strides = array<i32>} : memref<128x32xf32, #tpu.memory_space<vmem>>, vector<1x16xf32>,
        %swap3A_210 = vector.shape_cast %swap3A_209 : vector<1x16xf32> to vector<16xf32>
        %swap3A_211 = vector.shape_cast %mul3A_204 : vector<16xf32> to vector<1x16xf32>
        tpu.vector_store %arg11[%swap3A_207, %swap3A_208], %swap3A_211 {strides = array<i32>} : memref<128x32xf32, #tpu.memory_space<vmem>>, vector<1x16xf32>,
        %add3A_212 = arith.constant 2 : i32
        %add3A_213 = arith.addi %add3A_130, %add3A_212 : i32
        %get3A_214 = arith.index_cast %add3A_213 : i32 to index
        %get3A_215 = arith.constant 16 : index
        %get3A_216 = tpu.vector_load %arg11[%get3A_214, %get3A_215] {strides = array<i32>} : memref<128x32xf32, #tpu.memory_space<vmem>>, vector<1x16xf32>,
        %get3A_217 = vector.shape_cast %get3A_216 : vector<1x16xf32> to vector<16xf32>
        %mul3A_218 = vector.broadcast %squeeze3A_196 : f32 to vector<16xf32>
        %mul3A_219 = arith.mulf %get3A_217, %mul3A_218 : vector<16xf32>
        %add3A_220 = arith.constant 2 : i32
        %add3A_221 = arith.addi %add3A_130, %add3A_220 : i32
        %swap3A_222 = arith.index_cast %add3A_221 : i32 to index
        %swap3A_223 = arith.constant 16 : index
        %swap3A_224 = tpu.vector_load %arg11[%swap3A_222, %swap3A_223] {strides = array<i32>} : memref<128x32xf32, #tpu.memory_space<vmem>>, vector<1x16xf32>,
        %swap3A_225 = vector.shape_cast %swap3A_224 : vector<1x16xf32> to vector<16xf32>
        %swap3A_226 = vector.shape_cast %mul3A_219 : vector<16xf32> to vector<1x16xf32>
        tpu.vector_store %arg11[%swap3A_222, %swap3A_223], %swap3A_226 {strides = array<i32>} : memref<128x32xf32, #tpu.memory_space<vmem>>, vector<1x16xf32>,
        %slice3A_227 = vector.extract_strided_slice %get3A_133 {offsets = [3], sizes = [1], strides = [1]} : vector<16xf32> to vector<1xf32>
        %squeeze3A_228 = vector.extract %slice3A_227[0] : f32 from vector<1xf32>
        %add3A_229 = arith.constant 3 : i32
        %add3A_230 = arith.addi %add3A_130, %add3A_229 : i32
        %get3A_231 = arith.index_cast %add3A_230 : i32 to index
        %get3A_232 = arith.constant 0 : index
        %get3A_233 = tpu.vector_load %arg11[%get3A_231, %get3A_232] {strides = array<i32>} : memref<128x32xf32, #tpu.memory_space<vmem>>, vector<1x16xf32>,
        %get3A_234 = vector.shape_cast %get3A_233 : vector<1x16xf32> to vector<16xf32>
        %mul3A_235 = vector.broadcast %squeeze3A_228 : f32 to vector<16xf32>
        %mul3A_236 = arith.mulf %get3A_234, %mul3A_235 : vector<16xf32>
        %add3A_237 = arith.constant 3 : i32
        %add3A_238 = arith.addi %add3A_130, %add3A_237 : i32
        %swap3A_239 = arith.index_cast %add3A_238 : i32 to index
        %swap3A_240 = arith.constant 0 : index
        %swap3A_241 = tpu.vector_load %arg11[%swap3A_239, %swap3A_240] {strides = array<i32>} : memref<128x32xf32, #tpu.memory_space<vmem>>, vector<1x16xf32>,
        %swap3A_242 = vector.shape_cast %swap3A_241 : vector<1x16xf32> to vector<16xf32>
        %swap3A_243 = vector.shape_cast %mul3A_236 : vector<16xf32> to vector<1x16xf32>
        tpu.vector_store %arg11[%swap3A_239, %swap3A_240], %swap3A_243 {strides = array<i32>} : memref<128x32xf32, #tpu.memory_space<vmem>>, vector<1x16xf32>,
        %add3A_244 = arith.constant 3 : i32
        %add3A_245 = arith.addi %add3A_130, %add3A_244 : i32
        %get3A_246 = arith.index_cast %add3A_245 : i32 to index
        %get3A_247 = arith.constant 16 : index
        %get3A_248 = tpu.vector_load %arg11[%get3A_246, %get3A_247] {strides = array<i32>} : memref<128x32xf32, #tpu.memory_space<vmem>>, vector<1x16xf32>,
        %get3A_249 = vector.shape_cast %get3A_248 : vector<1x16xf32> to vector<16xf32>
        %mul3A_250 = vector.broadcast %squeeze3A_228 : f32 to vector<16xf32>
        %mul3A_251 = arith.mulf %get3A_249, %mul3A_250 : vector<16xf32>
        %add3A_252 = arith.constant 3 : i32
        %add3A_253 = arith.addi %add3A_130, %add3A_252 : i32
        %swap3A_254 = arith.index_cast %add3A_253 : i32 to index
        %swap3A_255 = arith.constant 16 : index
        %swap3A_256 = tpu.vector_load %arg11[%swap3A_254, %swap3A_255] {strides = array<i32>} : memref<128x32xf32, #tpu.memory_space<vmem>>, vector<1x16xf32>,
        %swap3A_257 = vector.shape_cast %swap3A_256 : vector<1x16xf32> to vector<16xf32>
        %swap3A_258 = vector.shape_cast %mul3A_251 : vector<16xf32> to vector<1x16xf32>
        tpu.vector_store %arg11[%swap3A_254, %swap3A_255], %swap3A_258 {strides = array<i32>} : memref<128x32xf32, #tpu.memory_space<vmem>>, vector<1x16xf32>,
        %slice3A_259 = vector.extract_strided_slice %get3A_133 {offsets = [4], sizes = [1], strides = [1]} : vector<16xf32> to vector<1xf32>
        %squeeze3A_260 = vector.extract %slice3A_259[0] : f32 from vector<1xf32>
        %add3A_261 = arith.constant 4 : i32
        %add3A_262 = arith.addi %add3A_130, %add3A_261 : i32
        %get3A_263 = arith.index_cast %add3A_262 : i32 to index
        %get3A_264 = arith.constant 0 : index
        %get3A_265 = tpu.vector_load %arg11[%get3A_263, %get3A_264] {strides = array<i32>} : memref<128x32xf32, #tpu.memory_space<vmem>>, vector<1x16xf32>,
        %get3A_266 = vector.shape_cast %get3A_265 : vector<1x16xf32> to vector<16xf32>
        %mul3A_267 = vector.broadcast %squeeze3A_260 : f32 to vector<16xf32>
        %mul3A_268 = arith.mulf %get3A_266, %mul3A_267 : vector<16xf32>
        %add3A_269 = arith.constant 4 : i32
        %add3A_270 = arith.addi %add3A_130, %add3A_269 : i32
        %swap3A_271 = arith.index_cast %add3A_270 : i32 to index
        %swap3A_272 = arith.constant 0 : index
        %swap3A_273 = tpu.vector_load %arg11[%swap3A_271, %swap3A_272] {strides = array<i32>} : memref<128x32xf32, #tpu.memory_space<vmem>>, vector<1x16xf32>,
        %swap3A_274 = vector.shape_cast %swap3A_273 : vector<1x16xf32> to vector<16xf32>
        %swap3A_275 = vector.shape_cast %mul3A_268 : vector<16xf32> to vector<1x16xf32>
        tpu.vector_store %arg11[%swap3A_271, %swap3A_272], %swap3A_275 {strides = array<i32>} : memref<128x32xf32, #tpu.memory_space<vmem>>, vector<1x16xf32>,
        %add3A_276 = arith.constant 4 : i32
        %add3A_277 = arith.addi %add3A_130, %add3A_276 : i32
        %get3A_278 = arith.index_cast %add3A_277 : i32 to index
        %get3A_279 = arith.constant 16 : index
        %get3A_280 = tpu.vector_load %arg11[%get3A_278, %get3A_279] {strides = array<i32>} : memref<128x32xf32, #tpu.memory_space<vmem>>, vector<1x16xf32>,
        %get3A_281 = vector.shape_cast %get3A_280 : vector<1x16xf32> to vector<16xf32>
        %mul3A_282 = vector.broadcast %squeeze3A_260 : f32 to vector<16xf32>
        %mul3A_283 = arith.mulf %get3A_281, %mul3A_282 : vector<16xf32>
        %add3A_284 = arith.constant 4 : i32
        %add3A_285 = arith.addi %add3A_130, %add3A_284 : i32
        %swap3A_286 = arith.index_cast %add3A_285 : i32 to index
        %swap3A_287 = arith.constant 16 : index
        %swap3A_288 = tpu.vector_load %arg11[%swap3A_286, %swap3A_287] {strides = array<i32>} : memref<128x32xf32, #tpu.memory_space<vmem>>, vector<1x16xf32>,
        %swap3A_289 = vector.shape_cast %swap3A_288 : vector<1x16xf32> to vector<16xf32>
        %swap3A_290 = vector.shape_cast %mul3A_283 : vector<16xf32> to vector<1x16xf32>
        tpu.vector_store %arg11[%swap3A_286, %swap3A_287], %swap3A_290 {strides = array<i32>} : memref<128x32xf32, #tpu.memory_space<vmem>>, vector<1x16xf32>,
        %slice3A_291 = vector.extract_strided_slice %get3A_133 {offsets = [5], sizes = [1], strides = [1]} : vector<16xf32> to vector<1xf32>
        %squeeze3A_292 = vector.extract %slice3A_291[0] : f32 from vector<1xf32>
        %add3A_293 = arith.constant 5 : i32
        %add3A_294 = arith.addi %add3A_130, %add3A_293 : i32
        %get3A_295 = arith.index_cast %add3A_294 : i32 to index
        %get3A_296 = arith.constant 0 : index
        %get3A_297 = tpu.vector_load %arg11[%get3A_295, %get3A_296] {strides = array<i32>} : memref<128x32xf32, #tpu.memory_space<vmem>>, vector<1x16xf32>,
        %get3A_298 = vector.shape_cast %get3A_297 : vector<1x16xf32> to vector<16xf32>
        %mul3A_299 = vector.broadcast %squeeze3A_292 : f32 to vector<16xf32>
        %mul3A_300 = arith.mulf %get3A_298, %mul3A_299 : vector<16xf32>
        %add3A_301 = arith.constant 5 : i32
        %add3A_302 = arith.addi %add3A_130, %add3A_301 : i32
        %swap3A_303 = arith.index_cast %add3A_302 : i32 to index
        %swap3A_304 = arith.constant 0 : index
        %swap3A_305 = tpu.vector_load %arg11[%swap3A_303, %swap3A_304] {strides = array<i32>} : memref<128x32xf32, #tpu.memory_space<vmem>>, vector<1x16xf32>,
        %swap3A_306 = vector.shape_cast %swap3A_305 : vector<1x16xf32> to vector<16xf32>
        %swap3A_307 = vector.shape_cast %mul3A_300 : vector<16xf32> to vector<1x16xf32>
        tpu.vector_store %arg11[%swap3A_303, %swap3A_304], %swap3A_307 {strides = array<i32>} : memref<128x32xf32, #tpu.memory_space<vmem>>, vector<1x16xf32>,
        %add3A_308 = arith.constant 5 : i32
        %add3A_309 = arith.addi %add3A_130, %add3A_308 : i32
        %get3A_310 = arith.index_cast %add3A_309 : i32 to index
        %get3A_311 = arith.constant 16 : index
        %get3A_312 = tpu.vector_load %arg11[%get3A_310, %get3A_311] {strides = array<i32>} : memref<128x32xf32, #tpu.memory_space<vmem>>, vector<1x16xf32>,
        %get3A_313 = vector.shape_cast %get3A_312 : vector<1x16xf32> to vector<16xf32>
        %mul3A_314 = vector.broadcast %squeeze3A_292 : f32 to vector<16xf32>
        %mul3A_315 = arith.mulf %get3A_313, %mul3A_314 : vector<16xf32>
        %add3A_316 = arith.constant 5 : i32
        %add3A_317 = arith.addi %add3A_130, %add3A_316 : i32
        %swap3A_318 = arith.index_cast %add3A_317 : i32 to index
        %swap3A_319 = arith.constant 16 : index
        %swap3A_320 = tpu.vector_load %arg11[%swap3A_318, %swap3A_319] {strides = array<i32>} : memref<128x32xf32, #tpu.memory_space<vmem>>, vector<1x16xf32>,
        %swap3A_321 = vector.shape_cast %swap3A_320 : vector<1x16xf32> to vector<16xf32>
        %swap3A_322 = vector.shape_cast %mul3A_315 : vector<16xf32> to vector<1x16xf32>
        tpu.vector_store %arg11[%swap3A_318, %swap3A_319], %swap3A_322 {strides = array<i32>} : memref<128x32xf32, #tpu.memory_space<vmem>>, vector<1x16xf32>,
        %slice3A_323 = vector.extract_strided_slice %get3A_133 {offsets = [6], sizes = [1], strides = [1]} : vector<16xf32> to vector<1xf32>
        %squeeze3A_324 = vector.extract %slice3A_323[0] : f32 from vector<1xf32>
        %add3A_325 = arith.constant 6 : i32
        %add3A_326 = arith.addi %add3A_130, %add3A_325 : i32
        %get3A_327 = arith.index_cast %add3A_326 : i32 to index
        %get3A_328 = arith.constant 0 : index
        %get3A_329 = tpu.vector_load %arg11[%get3A_327, %get3A_328] {strides = array<i32>} : memref<128x32xf32, #tpu.memory_space<vmem>>, vector<1x16xf32>,
        %get3A_330 = vector.shape_cast %get3A_329 : vector<1x16xf32> to vector<16xf32>
        %mul3A_331 = vector.broadcast %squeeze3A_324 : f32 to vector<16xf32>
        %mul3A_332 = arith.mulf %get3A_330, %mul3A_331 : vector<16xf32>
        %add3A_333 = arith.constant 6 : i32
        %add3A_334 = arith.addi %add3A_130, %add3A_333 : i32
        %swap3A_335 = arith.index_cast %add3A_334 : i32 to index
        %swap3A_336 = arith.constant 0 : index
        %swap3A_337 = tpu.vector_load %arg11[%swap3A_335, %swap3A_336] {strides = array<i32>} : memref<128x32xf32, #tpu.memory_space<vmem>>, vector<1x16xf32>,
        %swap3A_338 = vector.shape_cast %swap3A_337 : vector<1x16xf32> to vector<16xf32>
        %swap3A_339 = vector.shape_cast %mul3A_332 : vector<16xf32> to vector<1x16xf32>
        tpu.vector_store %arg11[%swap3A_335, %swap3A_336], %swap3A_339 {strides = array<i32>} : memref<128x32xf32, #tpu.memory_space<vmem>>, vector<1x16xf32>,
        %add3A_340 = arith.constant 6 : i32
        %add3A_341 = arith.addi %add3A_130, %add3A_340 : i32
        %get3A_342 = arith.index_cast %add3A_341 : i32 to index
        %get3A_343 = arith.constant 16 : index
        %get3A_344 = tpu.vector_load %arg11[%get3A_342, %get3A_343] {strides = array<i32>} : memref<128x32xf32, #tpu.memory_space<vmem>>, vector<1x16xf32>,
        %get3A_345 = vector.shape_cast %get3A_344 : vector<1x16xf32> to vector<16xf32>
        %mul3A_346 = vector.broadcast %squeeze3A_324 : f32 to vector<16xf32>
        %mul3A_347 = arith.mulf %get3A_345, %mul3A_346 : vector<16xf32>
        %add3A_348 = arith.constant 6 : i32
        %add3A_349 = arith.addi %add3A_130, %add3A_348 : i32
        %swap3A_350 = arith.index_cast %add3A_349 : i32 to index
        %swap3A_351 = arith.constant 16 : index
        %swap3A_352 = tpu.vector_load %arg11[%swap3A_350, %swap3A_351] {strides = array<i32>} : memref<128x32xf32, #tpu.memory_space<vmem>>, vector<1x16xf32>,
        %swap3A_353 = vector.shape_cast %swap3A_352 : vector<1x16xf32> to vector<16xf32>
        %swap3A_354 = vector.shape_cast %mul3A_347 : vector<16xf32> to vector<1x16xf32>
        tpu.vector_store %arg11[%swap3A_350, %swap3A_351], %swap3A_354 {strides = array<i32>} : memref<128x32xf32, #tpu.memory_space<vmem>>, vector<1x16xf32>,
        %slice3A_355 = vector.extract_strided_slice %get3A_133 {offsets = [7], sizes = [1], strides = [1]} : vector<16xf32> to vector<1xf32>
        %squeeze3A_356 = vector.extract %slice3A_355[0] : f32 from vector<1xf32>
        %add3A_357 = arith.constant 7 : i32
        %add3A_358 = arith.addi %add3A_130, %add3A_357 : i32
        %get3A_359 = arith.index_cast %add3A_358 : i32 to index
        %get3A_360 = arith.constant 0 : index
        %get3A_361 = tpu.vector_load %arg11[%get3A_359, %get3A_360] {strides = array<i32>} : memref<128x32xf32, #tpu.memory_space<vmem>>, vector<1x16xf32>,
        %get3A_362 = vector.shape_cast %get3A_361 : vector<1x16xf32> to vector<16xf32>
        %mul3A_363 = vector.broadcast %squeeze3A_356 : f32 to vector<16xf32>
        %mul3A_364 = arith.mulf %get3A_362, %mul3A_363 : vector<16xf32>
        %add3A_365 = arith.constant 7 : i32
        %add3A_366 = arith.addi %add3A_130, %add3A_365 : i32
        %swap3A_367 = arith.index_cast %add3A_366 : i32 to index
        %swap3A_368 = arith.constant 0 : index
        %swap3A_369 = tpu.vector_load %arg11[%swap3A_367, %swap3A_368] {strides = array<i32>} : memref<128x32xf32, #tpu.memory_space<vmem>>, vector<1x16xf32>,
        %swap3A_370 = vector.shape_cast %swap3A_369 : vector<1x16xf32> to vector<16xf32>
        %swap3A_371 = vector.shape_cast %mul3A_364 : vector<16xf32> to vector<1x16xf32>
        tpu.vector_store %arg11[%swap3A_367, %swap3A_368], %swap3A_371 {strides = array<i32>} : memref<128x32xf32, #tpu.memory_space<vmem>>, vector<1x16xf32>,
        %add3A_372 = arith.constant 7 : i32
        %add3A_373 = arith.addi %add3A_130, %add3A_372 : i32
        %get3A_374 = arith.index_cast %add3A_373 : i32 to index
        %get3A_375 = arith.constant 16 : index
        %get3A_376 = tpu.vector_load %arg11[%get3A_374, %get3A_375] {strides = array<i32>} : memref<128x32xf32, #tpu.memory_space<vmem>>, vector<1x16xf32>,
        %get3A_377 = vector.shape_cast %get3A_376 : vector<1x16xf32> to vector<16xf32>
        %mul3A_378 = vector.broadcast %squeeze3A_356 : f32 to vector<16xf32>
        %mul3A_379 = arith.mulf %get3A_377, %mul3A_378 : vector<16xf32>
        %add3A_380 = arith.constant 7 : i32
        %add3A_381 = arith.addi %add3A_130, %add3A_380 : i32
        %swap3A_382 = arith.index_cast %add3A_381 : i32 to index
        %swap3A_383 = arith.constant 16 : index
        %swap3A_384 = tpu.vector_load %arg11[%swap3A_382, %swap3A_383] {strides = array<i32>} : memref<128x32xf32, #tpu.memory_space<vmem>>, vector<1x16xf32>,
        %swap3A_385 = vector.shape_cast %swap3A_384 : vector<1x16xf32> to vector<16xf32>
        %swap3A_386 = vector.shape_cast %mul3A_379 : vector<16xf32> to vector<1x16xf32>
        tpu.vector_store %arg11[%swap3A_382, %swap3A_383], %swap3A_386 {strides = array<i32>} : memref<128x32xf32, #tpu.memory_space<vmem>>, vector<1x16xf32>,
        %slice3A_387 = vector.extract_strided_slice %get3A_133 {offsets = [8], sizes = [1], strides = [1]} : vector<16xf32> to vector<1xf32>
        %squeeze3A_388 = vector.extract %slice3A_387[0] : f32 from vector<1xf32>
        %add3A_389 = arith.constant 8 : i32
        %add3A_390 = arith.addi %add3A_130, %add3A_389 : i32
        %get3A_391 = arith.index_cast %add3A_390 : i32 to index
        %get3A_392 = arith.constant 0 : index
        %get3A_393 = tpu.vector_load %arg11[%get3A_391, %get3A_392] {strides = array<i32>} : memref<128x32xf32, #tpu.memory_space<vmem>>, vector<1x16xf32>,
        %get3A_394 = vector.shape_cast %get3A_393 : vector<1x16xf32> to vector<16xf32>
        %mul3A_395 = vector.broadcast %squeeze3A_388 : f32 to vector<16xf32>
        %mul3A_396 = arith.mulf %get3A_394, %mul3A_395 : vector<16xf32>
        %add3A_397 = arith.constant 8 : i32
        %add3A_398 = arith.addi %add3A_130, %add3A_397 : i32
        %swap3A_399 = arith.index_cast %add3A_398 : i32 to index
        %swap3A_400 = arith.constant 0 : index
        %swap3A_401 = tpu.vector_load %arg11[%swap3A_399, %swap3A_400] {strides = array<i32>} : memref<128x32xf32, #tpu.memory_space<vmem>>, vector<1x16xf32>,
        %swap3A_402 = vector.shape_cast %swap3A_401 : vector<1x16xf32> to vector<16xf32>
        %swap3A_403 = vector.shape_cast %mul3A_396 : vector<16xf32> to vector<1x16xf32>
        tpu.vector_store %arg11[%swap3A_399, %swap3A_400], %swap3A_403 {strides = array<i32>} : memref<128x32xf32, #tpu.memory_space<vmem>>, vector<1x16xf32>,
        %add3A_404 = arith.constant 8 : i32
        %add3A_405 = arith.addi %add3A_130, %add3A_404 : i32
        %get3A_406 = arith.index_cast %add3A_405 : i32 to index
        %get3A_407 = arith.constant 16 : index
        %get3A_408 = tpu.vector_load %arg11[%get3A_406, %get3A_407] {strides = array<i32>} : memref<128x32xf32, #tpu.memory_space<vmem>>, vector<1x16xf32>,
        %get3A_409 = vector.shape_cast %get3A_408 : vector<1x16xf32> to vector<16xf32>
        %mul3A_410 = vector.broadcast %squeeze3A_388 : f32 to vector<16xf32>
        %mul3A_411 = arith.mulf %get3A_409, %mul3A_410 : vector<16xf32>
        %add3A_412 = arith.constant 8 : i32
        %add3A_413 = arith.addi %add3A_130, %add3A_412 : i32
        %swap3A_414 = arith.index_cast %add3A_413 : i32 to index
        %swap3A_415 = arith.constant 16 : index
        %swap3A_416 = tpu.vector_load %arg11[%swap3A_414, %swap3A_415] {strides = array<i32>} : memref<128x32xf32, #tpu.memory_space<vmem>>, vector<1x16xf32>,
        %swap3A_417 = vector.shape_cast %swap3A_416 : vector<1x16xf32> to vector<16xf32>
        %swap3A_418 = vector.shape_cast %mul3A_411 : vector<16xf32> to vector<1x16xf32>
        tpu.vector_store %arg11[%swap3A_414, %swap3A_415], %swap3A_418 {strides = array<i32>} : memref<128x32xf32, #tpu.memory_space<vmem>>, vector<1x16xf32>,
        %slice3A_419 = vector.extract_strided_slice %get3A_133 {offsets = [9], sizes = [1], strides = [1]} : vector<16xf32> to vector<1xf32>
        %squeeze3A_420 = vector.extract %slice3A_419[0] : f32 from vector<1xf32>
        %add3A_421 = arith.constant 9 : i32
        %add3A_422 = arith.addi %add3A_130, %add3A_421 : i32
        %get3A_423 = arith.index_cast %add3A_422 : i32 to index
        %get3A_424 = arith.constant 0 : index
        %get3A_425 = tpu.vector_load %arg11[%get3A_423, %get3A_424] {strides = array<i32>} : memref<128x32xf32, #tpu.memory_space<vmem>>, vector<1x16xf32>,
        %get3A_426 = vector.shape_cast %get3A_425 : vector<1x16xf32> to vector<16xf32>
        %mul3A_427 = vector.broadcast %squeeze3A_420 : f32 to vector<16xf32>
        %mul3A_428 = arith.mulf %get3A_426, %mul3A_427 : vector<16xf32>
        %add3A_429 = arith.constant 9 : i32
        %add3A_430 = arith.addi %add3A_130, %add3A_429 : i32
        %swap3A_431 = arith.index_cast %add3A_430 : i32 to index
        %swap3A_432 = arith.constant 0 : index
        %swap3A_433 = tpu.vector_load %arg11[%swap3A_431, %swap3A_432] {strides = array<i32>} : memref<128x32xf32, #tpu.memory_space<vmem>>, vector<1x16xf32>,
        %swap3A_434 = vector.shape_cast %swap3A_433 : vector<1x16xf32> to vector<16xf32>
        %swap3A_435 = vector.shape_cast %mul3A_428 : vector<16xf32> to vector<1x16xf32>
        tpu.vector_store %arg11[%swap3A_431, %swap3A_432], %swap3A_435 {strides = array<i32>} : memref<128x32xf32, #tpu.memory_space<vmem>>, vector<1x16xf32>,
        %add3A_436 = arith.constant 9 : i32
        %add3A_437 = arith.addi %add3A_130, %add3A_436 : i32
        %get3A_438 = arith.index_cast %add3A_437 : i32 to index
        %get3A_439 = arith.constant 16 : index
        %get3A_440 = tpu.vector_load %arg11[%get3A_438, %get3A_439] {strides = array<i32>} : memref<128x32xf32, #tpu.memory_space<vmem>>, vector<1x16xf32>,
        %get3A_441 = vector.shape_cast %get3A_440 : vector<1x16xf32> to vector<16xf32>
        %mul3A_442 = vector.broadcast %squeeze3A_420 : f32 to vector<16xf32>
        %mul3A_443 = arith.mulf %get3A_441, %mul3A_442 : vector<16xf32>
        %add3A_444 = arith.constant 9 : i32
        %add3A_445 = arith.addi %add3A_130, %add3A_444 : i32
        %swap3A_446 = arith.index_cast %add3A_445 : i32 to index
        %swap3A_447 = arith.constant 16 : index
        %swap3A_448 = tpu.vector_load %arg11[%swap3A_446, %swap3A_447] {strides = array<i32>} : memref<128x32xf32, #tpu.memory_space<vmem>>, vector<1x16xf32>,
        %swap3A_449 = vector.shape_cast %swap3A_448 : vector<1x16xf32> to vector<16xf32>
        %swap3A_450 = vector.shape_cast %mul3A_443 : vector<16xf32> to vector<1x16xf32>
        tpu.vector_store %arg11[%swap3A_446, %swap3A_447], %swap3A_450 {strides = array<i32>} : memref<128x32xf32, #tpu.memory_space<vmem>>, vector<1x16xf32>,
        %slice3A_451 = vector.extract_strided_slice %get3A_133 {offsets = [10], sizes = [1], strides = [1]} : vector<16xf32> to vector<1xf32>
        %squeeze3A_452 = vector.extract %slice3A_451[0] : f32 from vector<1xf32>
        %add3A_453 = arith.constant 10 : i32
        %add3A_454 = arith.addi %add3A_130, %add3A_453 : i32
        %get3A_455 = arith.index_cast %add3A_454 : i32 to index
        %get3A_456 = arith.constant 0 : index
        %get3A_457 = tpu.vector_load %arg11[%get3A_455, %get3A_456] {strides = array<i32>} : memref<128x32xf32, #tpu.memory_space<vmem>>, vector<1x16xf32>,
        %get3A_458 = vector.shape_cast %get3A_457 : vector<1x16xf32> to vector<16xf32>
        %mul3A_459 = vector.broadcast %squeeze3A_452 : f32 to vector<16xf32>
        %mul3A_460 = arith.mulf %get3A_458, %mul3A_459 : vector<16xf32>
        %add3A_461 = arith.constant 10 : i32
        %add3A_462 = arith.addi %add3A_130, %add3A_461 : i32
        %swap3A_463 = arith.index_cast %add3A_462 : i32 to index
        %swap3A_464 = arith.constant 0 : index
        %swap3A_465 = tpu.vector_load %arg11[%swap3A_463, %swap3A_464] {strides = array<i32>} : memref<128x32xf32, #tpu.memory_space<vmem>>, vector<1x16xf32>,
        %swap3A_466 = vector.shape_cast %swap3A_465 : vector<1x16xf32> to vector<16xf32>
        %swap3A_467 = vector.shape_cast %mul3A_460 : vector<16xf32> to vector<1x16xf32>
        tpu.vector_store %arg11[%swap3A_463, %swap3A_464], %swap3A_467 {strides = array<i32>} : memref<128x32xf32, #tpu.memory_space<vmem>>, vector<1x16xf32>,
        %add3A_468 = arith.constant 10 : i32
        %add3A_469 = arith.addi %add3A_130, %add3A_468 : i32
        %get3A_470 = arith.index_cast %add3A_469 : i32 to index
        %get3A_471 = arith.constant 16 : index
        %get3A_472 = tpu.vector_load %arg11[%get3A_470, %get3A_471] {strides = array<i32>} : memref<128x32xf32, #tpu.memory_space<vmem>>, vector<1x16xf32>,
        %get3A_473 = vector.shape_cast %get3A_472 : vector<1x16xf32> to vector<16xf32>
        %mul3A_474 = vector.broadcast %squeeze3A_452 : f32 to vector<16xf32>
        %mul3A_475 = arith.mulf %get3A_473, %mul3A_474 : vector<16xf32>
        %add3A_476 = arith.constant 10 : i32
        %add3A_477 = arith.addi %add3A_130, %add3A_476 : i32
        %swap3A_478 = arith.index_cast %add3A_477 : i32 to index
        %swap3A_479 = arith.constant 16 : index
        %swap3A_480 = tpu.vector_load %arg11[%swap3A_478, %swap3A_479] {strides = array<i32>} : memref<128x32xf32, #tpu.memory_space<vmem>>, vector<1x16xf32>,
        %swap3A_481 = vector.shape_cast %swap3A_480 : vector<1x16xf32> to vector<16xf32>
        %swap3A_482 = vector.shape_cast %mul3A_475 : vector<16xf32> to vector<1x16xf32>
        tpu.vector_store %arg11[%swap3A_478, %swap3A_479], %swap3A_482 {strides = array<i32>} : memref<128x32xf32, #tpu.memory_space<vmem>>, vector<1x16xf32>,
        %slice3A_483 = vector.extract_strided_slice %get3A_133 {offsets = [11], sizes = [1], strides = [1]} : vector<16xf32> to vector<1xf32>
        %squeeze3A_484 = vector.extract %slice3A_483[0] : f32 from vector<1xf32>
        %add3A_485 = arith.constant 11 : i32
        %add3A_486 = arith.addi %add3A_130, %add3A_485 : i32
        %get3A_487 = arith.index_cast %add3A_486 : i32 to index
        %get3A_488 = arith.constant 0 : index
        %get3A_489 = tpu.vector_load %arg11[%get3A_487, %get3A_488] {strides = array<i32>} : memref<128x32xf32, #tpu.memory_space<vmem>>, vector<1x16xf32>,
        %get3A_490 = vector.shape_cast %get3A_489 : vector<1x16xf32> to vector<16xf32>
        %mul3A_491 = vector.broadcast %squeeze3A_484 : f32 to vector<16xf32>
        %mul3A_492 = arith.mulf %get3A_490, %mul3A_491 : vector<16xf32>
        %add3A_493 = arith.constant 11 : i32
        %add3A_494 = arith.addi %add3A_130, %add3A_493 : i32
        %swap3A_495 = arith.index_cast %add3A_494 : i32 to index
        %swap3A_496 = arith.constant 0 : index
        %swap3A_497 = tpu.vector_load %arg11[%swap3A_495, %swap3A_496] {strides = array<i32>} : memref<128x32xf32, #tpu.memory_space<vmem>>, vector<1x16xf32>,
        %swap3A_498 = vector.shape_cast %swap3A_497 : vector<1x16xf32> to vector<16xf32>
        %swap3A_499 = vector.shape_cast %mul3A_492 : vector<16xf32> to vector<1x16xf32>
        tpu.vector_store %arg11[%swap3A_495, %swap3A_496], %swap3A_499 {strides = array<i32>} : memref<128x32xf32, #tpu.memory_space<vmem>>, vector<1x16xf32>,
        %add3A_500 = arith.constant 11 : i32
        %add3A_501 = arith.addi %add3A_130, %add3A_500 : i32
        %get3A_502 = arith.index_cast %add3A_501 : i32 to index
        %get3A_503 = arith.constant 16 : index
        %get3A_504 = tpu.vector_load %arg11[%get3A_502, %get3A_503] {strides = array<i32>} : memref<128x32xf32, #tpu.memory_space<vmem>>, vector<1x16xf32>,
        %get3A_505 = vector.shape_cast %get3A_504 : vector<1x16xf32> to vector<16xf32>
        %mul3A_506 = vector.broadcast %squeeze3A_484 : f32 to vector<16xf32>
        %mul3A_507 = arith.mulf %get3A_505, %mul3A_506 : vector<16xf32>
        %add3A_508 = arith.constant 11 : i32
        %add3A_509 = arith.addi %add3A_130, %add3A_508 : i32
        %swap3A_510 = arith.index_cast %add3A_509 : i32 to index
        %swap3A_511 = arith.constant 16 : index
        %swap3A_512 = tpu.vector_load %arg11[%swap3A_510, %swap3A_511] {strides = array<i32>} : memref<128x32xf32, #tpu.memory_space<vmem>>, vector<1x16xf32>,
        %swap3A_513 = vector.shape_cast %swap3A_512 : vector<1x16xf32> to vector<16xf32>
        %swap3A_514 = vector.shape_cast %mul3A_507 : vector<16xf32> to vector<1x16xf32>
        tpu.vector_store %arg11[%swap3A_510, %swap3A_511], %swap3A_514 {strides = array<i32>} : memref<128x32xf32, #tpu.memory_space<vmem>>, vector<1x16xf32>,
        %slice3A_515 = vector.extract_strided_slice %get3A_133 {offsets = [12], sizes = [1], strides = [1]} : vector<16xf32> to vector<1xf32>
        %squeeze3A_516 = vector.extract %slice3A_515[0] : f32 from vector<1xf32>
        %add3A_517 = arith.constant 12 : i32
        %add3A_518 = arith.addi %add3A_130, %add3A_517 : i32
        %get3A_519 = arith.index_cast %add3A_518 : i32 to index
        %get3A_520 = arith.constant 0 : index
        %get3A_521 = tpu.vector_load %arg11[%get3A_519, %get3A_520] {strides = array<i32>} : memref<128x32xf32, #tpu.memory_space<vmem>>, vector<1x16xf32>,
        %get3A_522 = vector.shape_cast %get3A_521 : vector<1x16xf32> to vector<16xf32>
        %mul3A_523 = vector.broadcast %squeeze3A_516 : f32 to vector<16xf32>
        %mul3A_524 = arith.mulf %get3A_522, %mul3A_523 : vector<16xf32>
        %add3A_525 = arith.constant 12 : i32
        %add3A_526 = arith.addi %add3A_130, %add3A_525 : i32
        %swap3A_527 = arith.index_cast %add3A_526 : i32 to index
        %swap3A_528 = arith.constant 0 : index
        %swap3A_529 = tpu.vector_load %arg11[%swap3A_527, %swap3A_528] {strides = array<i32>} : memref<128x32xf32, #tpu.memory_space<vmem>>, vector<1x16xf32>,
        %swap3A_530 = vector.shape_cast %swap3A_529 : vector<1x16xf32> to vector<16xf32>
        %swap3A_531 = vector.shape_cast %mul3A_524 : vector<16xf32> to vector<1x16xf32>
        tpu.vector_store %arg11[%swap3A_527, %swap3A_528], %swap3A_531 {strides = array<i32>} : memref<128x32xf32, #tpu.memory_space<vmem>>, vector<1x16xf32>,
        %add3A_532 = arith.constant 12 : i32
        %add3A_533 = arith.addi %add3A_130, %add3A_532 : i32
        %get3A_534 = arith.index_cast %add3A_533 : i32 to index
        %get3A_535 = arith.constant 16 : index
        %get3A_536 = tpu.vector_load %arg11[%get3A_534, %get3A_535] {strides = array<i32>} : memref<128x32xf32, #tpu.memory_space<vmem>>, vector<1x16xf32>,
        %get3A_537 = vector.shape_cast %get3A_536 : vector<1x16xf32> to vector<16xf32>
        %mul3A_538 = vector.broadcast %squeeze3A_516 : f32 to vector<16xf32>
        %mul3A_539 = arith.mulf %get3A_537, %mul3A_538 : vector<16xf32>
        %add3A_540 = arith.constant 12 : i32
        %add3A_541 = arith.addi %add3A_130, %add3A_540 : i32
        %swap3A_542 = arith.index_cast %add3A_541 : i32 to index
        %swap3A_543 = arith.constant 16 : index
        %swap3A_544 = tpu.vector_load %arg11[%swap3A_542, %swap3A_543] {strides = array<i32>} : memref<128x32xf32, #tpu.memory_space<vmem>>, vector<1x16xf32>,
        %swap3A_545 = vector.shape_cast %swap3A_544 : vector<1x16xf32> to vector<16xf32>
        %swap3A_546 = vector.shape_cast %mul3A_539 : vector<16xf32> to vector<1x16xf32>
        tpu.vector_store %arg11[%swap3A_542, %swap3A_543], %swap3A_546 {strides = array<i32>} : memref<128x32xf32, #tpu.memory_space<vmem>>, vector<1x16xf32>,
        %slice3A_547 = vector.extract_strided_slice %get3A_133 {offsets = [13], sizes = [1], strides = [1]} : vector<16xf32> to vector<1xf32>
        %squeeze3A_548 = vector.extract %slice3A_547[0] : f32 from vector<1xf32>
        %add3A_549 = arith.constant 13 : i32
        %add3A_550 = arith.addi %add3A_130, %add3A_549 : i32
        %get3A_551 = arith.index_cast %add3A_550 : i32 to index
        %get3A_552 = arith.constant 0 : index
        %get3A_553 = tpu.vector_load %arg11[%get3A_551, %get3A_552] {strides = array<i32>} : memref<128x32xf32, #tpu.memory_space<vmem>>, vector<1x16xf32>,
        %get3A_554 = vector.shape_cast %get3A_553 : vector<1x16xf32> to vector<16xf32>
        %mul3A_555 = vector.broadcast %squeeze3A_548 : f32 to vector<16xf32>
        %mul3A_556 = arith.mulf %get3A_554, %mul3A_555 : vector<16xf32>
        %add3A_557 = arith.constant 13 : i32
        %add3A_558 = arith.addi %add3A_130, %add3A_557 : i32
        %swap3A_559 = arith.index_cast %add3A_558 : i32 to index
        %swap3A_560 = arith.constant 0 : index
        %swap3A_561 = tpu.vector_load %arg11[%swap3A_559, %swap3A_560] {strides = array<i32>} : memref<128x32xf32, #tpu.memory_space<vmem>>, vector<1x16xf32>,
        %swap3A_562 = vector.shape_cast %swap3A_561 : vector<1x16xf32> to vector<16xf32>
        %swap3A_563 = vector.shape_cast %mul3A_556 : vector<16xf32> to vector<1x16xf32>
        tpu.vector_store %arg11[%swap3A_559, %swap3A_560], %swap3A_563 {strides = array<i32>} : memref<128x32xf32, #tpu.memory_space<vmem>>, vector<1x16xf32>,
        %add3A_564 = arith.constant 13 : i32
        %add3A_565 = arith.addi %add3A_130, %add3A_564 : i32
        %get3A_566 = arith.index_cast %add3A_565 : i32 to index
        %get3A_567 = arith.constant 16 : index
        %get3A_568 = tpu.vector_load %arg11[%get3A_566, %get3A_567] {strides = array<i32>} : memref<128x32xf32, #tpu.memory_space<vmem>>, vector<1x16xf32>,
        %get3A_569 = vector.shape_cast %get3A_568 : vector<1x16xf32> to vector<16xf32>
        %mul3A_570 = vector.broadcast %squeeze3A_548 : f32 to vector<16xf32>
        %mul3A_571 = arith.mulf %get3A_569, %mul3A_570 : vector<16xf32>
        %add3A_572 = arith.constant 13 : i32
        %add3A_573 = arith.addi %add3A_130, %add3A_572 : i32
        %swap3A_574 = arith.index_cast %add3A_573 : i32 to index
        %swap3A_575 = arith.constant 16 : index
        %swap3A_576 = tpu.vector_load %arg11[%swap3A_574, %swap3A_575] {strides = array<i32>} : memref<128x32xf32, #tpu.memory_space<vmem>>, vector<1x16xf32>,
        %swap3A_577 = vector.shape_cast %swap3A_576 : vector<1x16xf32> to vector<16xf32>
        %swap3A_578 = vector.shape_cast %mul3A_571 : vector<16xf32> to vector<1x16xf32>
        tpu.vector_store %arg11[%swap3A_574, %swap3A_575], %swap3A_578 {strides = array<i32>} : memref<128x32xf32, #tpu.memory_space<vmem>>, vector<1x16xf32>,
        %slice3A_579 = vector.extract_strided_slice %get3A_133 {offsets = [14], sizes = [1], strides = [1]} : vector<16xf32> to vector<1xf32>
        %squeeze3A_580 = vector.extract %slice3A_579[0] : f32 from vector<1xf32>
        %add3A_581 = arith.constant 14 : i32
        %add3A_582 = arith.addi %add3A_130, %add3A_581 : i32
        %get3A_583 = arith.index_cast %add3A_582 : i32 to index
        %get3A_584 = arith.constant 0 : index
        %get3A_585 = tpu.vector_load %arg11[%get3A_583, %get3A_584] {strides = array<i32>} : memref<128x32xf32, #tpu.memory_space<vmem>>, vector<1x16xf32>,
        %get3A_586 = vector.shape_cast %get3A_585 : vector<1x16xf32> to vector<16xf32>
        %mul3A_587 = vector.broadcast %squeeze3A_580 : f32 to vector<16xf32>
        %mul3A_588 = arith.mulf %get3A_586, %mul3A_587 : vector<16xf32>
        %add3A_589 = arith.constant 14 : i32
        %add3A_590 = arith.addi %add3A_130, %add3A_589 : i32
        %swap3A_591 = arith.index_cast %add3A_590 : i32 to index
        %swap3A_592 = arith.constant 0 : index
        %swap3A_593 = tpu.vector_load %arg11[%swap3A_591, %swap3A_592] {strides = array<i32>} : memref<128x32xf32, #tpu.memory_space<vmem>>, vector<1x16xf32>,
        %swap3A_594 = vector.shape_cast %swap3A_593 : vector<1x16xf32> to vector<16xf32>
        %swap3A_595 = vector.shape_cast %mul3A_588 : vector<16xf32> to vector<1x16xf32>
        tpu.vector_store %arg11[%swap3A_591, %swap3A_592], %swap3A_595 {strides = array<i32>} : memref<128x32xf32, #tpu.memory_space<vmem>>, vector<1x16xf32>,
        %add3A_596 = arith.constant 14 : i32
        %add3A_597 = arith.addi %add3A_130, %add3A_596 : i32
        %get3A_598 = arith.index_cast %add3A_597 : i32 to index
        %get3A_599 = arith.constant 16 : index
        %get3A_600 = tpu.vector_load %arg11[%get3A_598, %get3A_599] {strides = array<i32>} : memref<128x32xf32, #tpu.memory_space<vmem>>, vector<1x16xf32>,
        %get3A_601 = vector.shape_cast %get3A_600 : vector<1x16xf32> to vector<16xf32>
        %mul3A_602 = vector.broadcast %squeeze3A_580 : f32 to vector<16xf32>
        %mul3A_603 = arith.mulf %get3A_601, %mul3A_602 : vector<16xf32>
        %add3A_604 = arith.constant 14 : i32
        %add3A_605 = arith.addi %add3A_130, %add3A_604 : i32
        %swap3A_606 = arith.index_cast %add3A_605 : i32 to index
        %swap3A_607 = arith.constant 16 : index
        %swap3A_608 = tpu.vector_load %arg11[%swap3A_606, %swap3A_607] {strides = array<i32>} : memref<128x32xf32, #tpu.memory_space<vmem>>, vector<1x16xf32>,
        %swap3A_609 = vector.shape_cast %swap3A_608 : vector<1x16xf32> to vector<16xf32>
        %swap3A_610 = vector.shape_cast %mul3A_603 : vector<16xf32> to vector<1x16xf32>
        tpu.vector_store %arg11[%swap3A_606, %swap3A_607], %swap3A_610 {strides = array<i32>} : memref<128x32xf32, #tpu.memory_space<vmem>>, vector<1x16xf32>,
        %slice3A_611 = vector.extract_strided_slice %get3A_133 {offsets = [15], sizes = [1], strides = [1]} : vector<16xf32> to vector<1xf32>
        %squeeze3A_612 = vector.extract %slice3A_611[0] : f32 from vector<1xf32>
        %add3A_613 = arith.constant 15 : i32
        %add3A_614 = arith.addi %add3A_130, %add3A_613 : i32
        %get3A_615 = arith.index_cast %add3A_614 : i32 to index
        %get3A_616 = arith.constant 0 : index
        %get3A_617 = tpu.vector_load %arg11[%get3A_615, %get3A_616] {strides = array<i32>} : memref<128x32xf32, #tpu.memory_space<vmem>>, vector<1x16xf32>,
        %get3A_618 = vector.shape_cast %get3A_617 : vector<1x16xf32> to vector<16xf32>
        %mul3A_619 = vector.broadcast %squeeze3A_612 : f32 to vector<16xf32>
        %mul3A_620 = arith.mulf %get3A_618, %mul3A_619 : vector<16xf32>
        %add3A_621 = arith.constant 15 : i32
        %add3A_622 = arith.addi %add3A_130, %add3A_621 : i32
        %swap3A_623 = arith.index_cast %add3A_622 : i32 to index
        %swap3A_624 = arith.constant 0 : index
        %swap3A_625 = tpu.vector_load %arg11[%swap3A_623, %swap3A_624] {strides = array<i32>} : memref<128x32xf32, #tpu.memory_space<vmem>>, vector<1x16xf32>,
        %swap3A_626 = vector.shape_cast %swap3A_625 : vector<1x16xf32> to vector<16xf32>
        %swap3A_627 = vector.shape_cast %mul3A_620 : vector<16xf32> to vector<1x16xf32>
        tpu.vector_store %arg11[%swap3A_623, %swap3A_624], %swap3A_627 {strides = array<i32>} : memref<128x32xf32, #tpu.memory_space<vmem>>, vector<1x16xf32>,
        %add3A_628 = arith.constant 15 : i32
        %add3A_629 = arith.addi %add3A_130, %add3A_628 : i32
        %get3A_630 = arith.index_cast %add3A_629 : i32 to index
        %get3A_631 = arith.constant 16 : index
        %get3A_632 = tpu.vector_load %arg11[%get3A_630, %get3A_631] {strides = array<i32>} : memref<128x32xf32, #tpu.memory_space<vmem>>, vector<1x16xf32>,
        %get3A_633 = vector.shape_cast %get3A_632 : vector<1x16xf32> to vector<16xf32>
        %mul3A_634 = vector.broadcast %squeeze3A_612 : f32 to vector<16xf32>
        %mul3A_635 = arith.mulf %get3A_633, %mul3A_634 : vector<16xf32>
        %add3A_636 = arith.constant 15 : i32
        %add3A_637 = arith.addi %add3A_130, %add3A_636 : i32
        %swap3A_638 = arith.index_cast %add3A_637 : i32 to index
        %swap3A_639 = arith.constant 16 : index
        %swap3A_640 = tpu.vector_load %arg11[%swap3A_638, %swap3A_639] {strides = array<i32>} : memref<128x32xf32, #tpu.memory_space<vmem>>, vector<1x16xf32>,
        %swap3A_641 = vector.shape_cast %swap3A_640 : vector<1x16xf32> to vector<16xf32>
        %swap3A_642 = vector.shape_cast %mul3A_635 : vector<16xf32> to vector<1x16xf32>
        tpu.vector_store %arg11[%swap3A_638, %swap3A_639], %swap3A_642 {strides = array<i32>} : memref<128x32xf32, #tpu.memory_space<vmem>>, vector<1x16xf32>,
      }
      %scan3A_92 = arith.constant 8 : i32
      %add3A_93 = arith.constant 1 : i32
      %add3A_94 = arith.addi %add3A_60, %add3A_93 : i32
      %dma_start3A_95 = arith.constant 0 : i32
      %dma_start3A_96 = tpu.memref_slice %arg8[%add3A_94, %dma_start3A_95] : memref<80x128xi32, #tpu.memory_space<vmem>> -> memref<1x128xi32, #tpu.memory_space<vmem>>
      %dma_start3A_97 = tpu.memref_squeeze %dma_start3A_96 : memref<1x128xi32, #tpu.memory_space<vmem>> -> memref<128xi32, #tpu.memory_space<vmem>>
      %dma_start3A_98 = arith.constant 0 : i32
      %dma_start3A_99 = arith.constant 0 : i32
      %dma_start3A_100 = tpu.memref_slice %arg13[%dma_start3A_98, %dma_start3A_99] : memref<40960x32xf32, #tpu.memory_space<vmem_shared>> -> memref<40960x32xf32, #tpu.memory_space<vmem_shared>>
      tpu.enqueue_indirect_dma source(%arg11 : memref<128x32xf32, #tpu.memory_space<vmem>>) target(%dma_start3A_100 : memref<40960x32xf32, #tpu.memory_space<vmem_shared>>) offsets(%dma_start3A_97 : memref<128xi32, #tpu.memory_space<vmem>>) semaphore(%arg17 : memref<!tpu.dma_semaphore, #tpu.memory_space<semaphore_mem>>) {add = true}
      %dma_wait3A_101 = arith.constant 0 : i32
      %dma_wait3A_102 = tpu.memref_slice %arg8[%add3A_60, %dma_wait3A_101] : memref<80x128xi32, #tpu.memory_space<vmem>> -> memref<1x128xi32, #tpu.memory_space<vmem>>
      %dma_wait3A_103 = tpu.memref_squeeze %dma_wait3A_102 : memref<1x128xi32, #tpu.memory_space<vmem>> -> memref<128xi32, #tpu.memory_space<vmem>>
      %dma_wait3A_104 = arith.constant 0 : i32
      %dma_wait3A_105 = arith.constant 0 : i32
      %dma_wait3A_106 = tpu.memref_slice %arg13[%dma_wait3A_104, %dma_wait3A_105] : memref<40960x32xf32, #tpu.memory_space<vmem_shared>> -> memref<40960x32xf32, #tpu.memory_space<vmem_shared>>
      tpu.wait_indirect_dma semaphore(%arg16 : memref<!tpu.dma_semaphore, #tpu.memory_space<semaphore_mem>>) src(%arg10 : memref<128x32xf32, #tpu.memory_space<vmem>>) dst(%dma_wait3A_106 : memref<40960x32xf32, #tpu.memory_space<vmem_shared>>)
      %add3A_107 = arith.constant 2 : i32
      %add3A_108 = arith.addi %add3A_60, %add3A_107 : i32
      %lt3A = arith.constant 80 : i32
      %lt3A_109 = arith.cmpi slt, %add3A_108, %lt3A : i32
      %convert_element_type3A = arith.extui %lt3A_109 : i1 to i32
      %cond3A = arith.constant 0 : i32
      %cond3A_110 = arith.cmpi ne, %convert_element_type3A, %cond3A : i32
      scf.if %cond3A_110 {
        %add3A_126 = arith.constant 2 : i32
        %add3A_127 = arith.addi %add3A_60, %add3A_126 : i32
        %dma_start3A_128 = arith.constant 0 : i32
        %dma_start3A_129 = tpu.memref_slice %arg7[%add3A_127, %dma_start3A_128] : memref<80x128xi32, #tpu.memory_space<vmem>> -> memref<1x128xi32, #tpu.memory_space<vmem>>
        %dma_start3A_130 = tpu.memref_squeeze %dma_start3A_129 : memref<1x128xi32, #tpu.memory_space<vmem>> -> memref<128xi32, #tpu.memory_space<vmem>>
        %dma_start3A_131 = arith.constant 0 : i32
        %dma_start3A_132 = arith.constant 0 : i32
        %dma_start3A_133 = tpu.memref_slice %arg2[%dma_start3A_131, %dma_start3A_132] : memref<10000x32xf32, #tpu.memory_space<hbm>> -> memref<10000x32xf32, #tpu.memory_space<hbm>>
        tpu.enqueue_indirect_dma source(%dma_start3A_133 : memref<10000x32xf32, #tpu.memory_space<hbm>>) target(%arg10 : memref<128x32xf32, #tpu.memory_space<vmem>>) offsets(%dma_start3A_130 : memref<128xi32, #tpu.memory_space<vmem>>) semaphore(%arg14 : memref<!tpu.dma_semaphore, #tpu.memory_space<semaphore_mem>>)
      } else {
      }
      %add3A_111 = arith.constant 1 : i32
      %add3A_112 = arith.addi %add3A_60, %add3A_111 : i32
      %dma_wait3A_113 = arith.constant 0 : i32
      %dma_wait3A_114 = tpu.memref_slice %arg8[%add3A_112, %dma_wait3A_113] : memref<80x128xi32, #tpu.memory_space<vmem>> -> memref<1x128xi32, #tpu.memory_space<vmem>>
      %dma_wait3A_115 = tpu.memref_squeeze %dma_wait3A_114 : memref<1x128xi32, #tpu.memory_space<vmem>> -> memref<128xi32, #tpu.memory_space<vmem>>
      %dma_wait3A_116 = arith.constant 0 : i32
      %dma_wait3A_117 = arith.constant 0 : i32
      %dma_wait3A_118 = tpu.memref_slice %arg13[%dma_wait3A_116, %dma_wait3A_117] : memref<40960x32xf32, #tpu.memory_space<vmem_shared>> -> memref<40960x32xf32, #tpu.memory_space<vmem_shared>>
      tpu.wait_indirect_dma semaphore(%arg17 : memref<!tpu.dma_semaphore, #tpu.memory_space<semaphore_mem>>) src(%arg11 : memref<128x32xf32, #tpu.memory_space<vmem>>) dst(%dma_wait3A_118 : memref<40960x32xf32, #tpu.memory_space<vmem_shared>>)
      %add3A_119 = arith.constant 3 : i32
      %add3A_120 = arith.addi %add3A_60, %add3A_119 : i32
      %lt3A_121 = arith.constant 80 : i32
      %lt3A_122 = arith.cmpi slt, %add3A_120, %lt3A_121 : i32
      %convert_element_type3A_123 = arith.extui %lt3A_122 : i1 to i32
      %cond3A_124 = arith.constant 0 : i32
      %cond3A_125 = arith.cmpi ne, %convert_element_type3A_123, %cond3A_124 : i32
      scf.if %cond3A_125 {
        %add3A_126 = arith.constant 3 : i32
        %add3A_127 = arith.addi %add3A_60, %add3A_126 : i32
        %dma_start3A_128 = arith.constant 0 : i32
        %dma_start3A_129 = tpu.memref_slice %arg7[%add3A_127, %dma_start3A_128] : memref<80x128xi32, #tpu.memory_space<vmem>> -> memref<1x128xi32, #tpu.memory_space<vmem>>
        %dma_start3A_130 = tpu.memref_squeeze %dma_start3A_129 : memref<1x128xi32, #tpu.memory_space<vmem>> -> memref<128xi32, #tpu.memory_space<vmem>>
        %dma_start3A_131 = arith.constant 0 : i32
        %dma_start3A_132 = arith.constant 0 : i32
        %dma_start3A_133 = tpu.memref_slice %arg2[%dma_start3A_131, %dma_start3A_132] : memref<10000x32xf32, #tpu.memory_space<hbm>> -> memref<10000x32xf32, #tpu.memory_space<hbm>>
        tpu.enqueue_indirect_dma source(%dma_start3A_133 : memref<10000x32xf32, #tpu.memory_space<hbm>>) target(%arg11 : memref<128x32xf32, #tpu.memory_space<vmem>>) offsets(%dma_start3A_130 : memref<128xi32, #tpu.memory_space<vmem>>) semaphore(%arg15 : memref<!tpu.dma_semaphore, #tpu.memory_space<semaphore_mem>>)
      } else {
      }
    }
    %scan3A_54 = arith.constant 40 : i32
    %barrier3A_55 = arith.constant 0 : index
    tpu.barrier barrier_id(%barrier3A_55)
    "tpu.region"() ({
      %run_scoped3A = tpu.sem_alloc : memref<!tpu.dma_semaphore, #tpu.memory_space<semaphore_mem>>
      %dma_start3A_56 = arith.constant 0 : i32
      %dma_start3A_57 = tpu.memref_slice %arg6[%arg0, %mul3A_19, %dma_start3A_56] : memref<2x40960x32xf32, #tpu.memory_space<hbm>> -> memref<1x2560x32xf32, #tpu.memory_space<hbm>>
      %dma_start3A_58 = tpu.memref_squeeze %dma_start3A_57 : memref<1x2560x32xf32, #tpu.memory_space<hbm>> -> memref<2560x32xf32, #tpu.memory_space<hbm>>
      %dma_start3A_59 = arith.constant 0 : i32
      %dma_start3A_60 = tpu.memref_slice %arg13[%mul3A_19, %dma_start3A_59] : memref<40960x32xf32, #tpu.memory_space<vmem_shared>> -> memref<2560x32xf32, #tpu.memory_space<vmem_shared>>
      tpu.enqueue_dma source(%dma_start3A_60 : memref<2560x32xf32, #tpu.memory_space<vmem_shared>>) target(%dma_start3A_58 : memref<2560x32xf32, #tpu.memory_space<hbm>>) target_semaphore(%run_scoped3A : memref<!tpu.dma_semaphore, #tpu.memory_space<semaphore_mem>>)
      %dma_wait3A_61 = arith.constant 0 : i32
      %dma_wait3A_62 = tpu.memref_slice %arg6[%arg0, %mul3A_19, %dma_wait3A_61] : memref<2x40960x32xf32, #tpu.memory_space<hbm>> -> memref<1x2560x32xf32, #tpu.memory_space<hbm>>
      %dma_wait3A_63 = tpu.memref_squeeze %dma_wait3A_62 : memref<1x2560x32xf32, #tpu.memory_space<hbm>> -> memref<2560x32xf32, #tpu.memory_space<hbm>>
      %dma_wait3A_64 = arith.constant 0 : i32
      %dma_wait3A_65 = tpu.memref_slice %arg13[%mul3A_19, %dma_wait3A_64] : memref<40960x32xf32, #tpu.memory_space<vmem_shared>> -> memref<2560x32xf32, #tpu.memory_space<vmem_shared>>
      tpu.wait_dma2 semaphore(%run_scoped3A : memref<!tpu.dma_semaphore, #tpu.memory_space<semaphore_mem>>) src(%dma_wait3A_65 : memref<2560x32xf32, #tpu.memory_space<vmem_shared>>) dst(%dma_wait3A_63 : memref<2560x32xf32, #tpu.memory_space<hbm>>)
      tpu.yield
    }) : () -> ()
    return
  }
}

module attributes {stable_mosaic.version = 14 : i64} {
  func.func @_final_body(%arg0: i32, %arg1: memref<2x2000x128xf32, #tpu.memory_space<vmem>>, %arg2: memref<2000x32xf32, #tpu.memory_space<vmem>>, %arg3: memref<128x64xf32, #tpu.memory_space<vmem>>, %arg4: memref<32x64xf32, #tpu.memory_space<vmem>>, %arg5: memref<1x64xf32, #tpu.memory_space<vmem>>, %arg6: memref<2000x64xf32, #tpu.memory_space<vmem>>) attributes {dimension_semantics = [#tpu.dimension_semantics<arbitrary>], iteration_bounds = array<i64: 5>, scalar_prefetch = 0 : i64, scratch_operands = 0 : i64, tpu.core_type = #tpu.core_type<tc>, window_params = [{transform_indices = @transform_0, window_bounds = array<i64: 2, 2000, 128>}, {transform_indices = @transform_1, window_bounds = array<i64: 2000, 32>}, {pipeline_mode = #tpu.pipeline_mode<synchronous>, transform_indices = @transform_2, window_bounds = array<i64: 128, 64>}, {pipeline_mode = #tpu.pipeline_mode<synchronous>, transform_indices = @transform_3, window_bounds = array<i64: 32, 64>}, {pipeline_mode = #tpu.pipeline_mode<synchronous>, transform_indices = @transform_4, window_bounds = array<i64: 1, 64>}, {transform_indices = @transform_5, window_bounds = array<i64: 2000, 64>}]} {
    %get3A = arith.constant 0 : index
    %get3A_0 = arith.constant 0 : index
    %get3A_1 = arith.constant 0 : index
    %get3A_2 = vector.load %arg1[%get3A, %get3A_0, %get3A_1] : memref<2x2000x128xf32, #tpu.memory_space<vmem>>, vector<1x2000x128xf32>
    %get3A_3 = vector.shape_cast %get3A_2 : vector<1x2000x128xf32> to vector<2000x128xf32>
    %get3A_4 = arith.constant 1 : index
    %get3A_5 = arith.constant 0 : index
    %get3A_6 = arith.constant 0 : index
    %get3A_7 = vector.load %arg1[%get3A_4, %get3A_5, %get3A_6] : memref<2x2000x128xf32, #tpu.memory_space<vmem>>, vector<1x2000x128xf32>
    %get3A_8 = vector.shape_cast %get3A_7 : vector<1x2000x128xf32> to vector<2000x128xf32>
    %add3A = arith.addf %get3A_3, %get3A_8 : vector<2000x128xf32>
    %get3A_9 = arith.constant 0 : index
    %get3A_10 = arith.constant 0 : index
    %get3A_11 = vector.load %arg3[%get3A_9, %get3A_10] : memref<128x64xf32, #tpu.memory_space<vmem>>, vector<128x64xf32>
    %dot_general3A = arith.constant dense<0.000000e+00> : vector<2000x64xf32>
    %dot_general3A_12 = tpu.matmul %add3A, %get3A_11, %dot_general3A {dimension_numbers = #tpu.dot_dimension_numbers<[1], [0], [0], [1], [0, 0, 1, 1], [], []>, transpose_lhs_hint = false} : vector<2000x128xf32>, vector<128x64xf32>, vector<2000x64xf32> -> vector<2000x64xf32>
    %get3A_13 = arith.constant 0 : index
    %get3A_14 = arith.constant 0 : index
    %get3A_15 = vector.load %arg2[%get3A_13, %get3A_14] : memref<2000x32xf32, #tpu.memory_space<vmem>>, vector<2000x32xf32>
    %get3A_16 = arith.constant 0 : index
    %get3A_17 = arith.constant 0 : index
    %get3A_18 = vector.load %arg4[%get3A_16, %get3A_17] : memref<32x64xf32, #tpu.memory_space<vmem>>, vector<32x64xf32>
    %dot_general3A_19 = arith.constant dense<0.000000e+00> : vector<2000x64xf32>
    %dot_general3A_20 = tpu.matmul %get3A_15, %get3A_18, %dot_general3A_19 {dimension_numbers = #tpu.dot_dimension_numbers<[1], [0], [0], [1], [0, 0, 1, 1], [], []>, transpose_lhs_hint = false} : vector<2000x32xf32>, vector<32x64xf32>, vector<2000x64xf32> -> vector<2000x64xf32>
    %add3A_21 = arith.addf %dot_general3A_12, %dot_general3A_20 : vector<2000x64xf32>
    %get3A_22 = arith.constant 0 : index
    %get3A_23 = arith.constant 0 : index
    %get3A_24 = vector.load %arg5[%get3A_22, %get3A_23] : memref<1x64xf32, #tpu.memory_space<vmem>>, vector<1x64xf32>
    %add3A_25 = vector.broadcast %get3A_24 : vector<1x64xf32> to vector<2000x64xf32>
    %add3A_26 = arith.addf %add3A_21, %add3A_25 : vector<2000x64xf32>
    %max3A = arith.constant 0.000000e+00 : f32
    %max3A_27 = vector.broadcast %max3A : f32 to vector<2000x64xf32>
    %max3A_28 = arith.maximumf %add3A_26, %max3A_27 : vector<2000x64xf32>
    %swap3A = arith.constant 0 : index
    %swap3A_29 = arith.constant 0 : index
    %swap3A_30 = vector.load %arg6[%swap3A, %swap3A_29] : memref<2000x64xf32, #tpu.memory_space<vmem>>, vector<2000x64xf32>
    tpu.vector_store %arg6[%swap3A, %swap3A_29], %max3A_28 {strides = array<i32>} : memref<2000x64xf32, #tpu.memory_space<vmem>>, vector<2000x64xf32>,
    return
  }
  func.func @transform_0(%arg0: i32) -> (i32, i32, i32) {
    %c0_i32 = arith.constant 0 : i32
    %c0_i32_0 = arith.constant 0 : i32
    %c0_i32_1 = arith.constant 0 : i32
    return %c0_i32, %arg0, %c0_i32_0 : i32, i32, i32
  }
  func.func @transform_1(%arg0: i32) -> (i32, i32) {
    %c0_i32 = arith.constant 0 : i32
    %c0_i32_0 = arith.constant 0 : i32
    return %arg0, %c0_i32 : i32, i32
  }
  func.func @transform_2(%arg0: i32) -> (i32, i32) {
    %c0_i32 = arith.constant 0 : i32
    %c0_i32_0 = arith.constant 0 : i32
    %c0_i32_1 = arith.constant 0 : i32
    return %c0_i32, %c0_i32_0 : i32, i32
  }
  func.func @transform_3(%arg0: i32) -> (i32, i32) {
    %c0_i32 = arith.constant 0 : i32
    %c0_i32_0 = arith.constant 0 : i32
    %c0_i32_1 = arith.constant 0 : i32
    return %c0_i32, %c0_i32_0 : i32, i32
  }
  func.func @transform_4(%arg0: i32) -> (i32, i32) {
    %c0_i32 = arith.constant 0 : i32
    %c0_i32_0 = arith.constant 0 : i32
    %c0_i32_1 = arith.constant 0 : i32
    return %c0_i32, %c0_i32_0 : i32, i32
  }
  func.func @transform_5(%arg0: i32) -> (i32, i32) {
    %c0_i32 = arith.constant 0 : i32
    %c0_i32_0 = arith.constant 0 : i32
    return %arg0, %c0_i32 : i32, i32
  }
}

module attributes {stable_mosaic.version = 14 : i64} {
  func.func @_encoder_body(%arg0: i32, %arg1: memref<1000x128xf32, #tpu.memory_space<vmem>>, %arg2: memref<128x64xf32, #tpu.memory_space<vmem>>, %arg3: memref<1x64xf32, #tpu.memory_space<vmem>>, %arg4: memref<64x32xf32, #tpu.memory_space<vmem>>, %arg5: memref<1x32xf32, #tpu.memory_space<vmem>>, %arg6: memref<256x2x128xi32, #tpu.memory_space<vmem>>, %arg7: memref<256x128xi32, #tpu.memory_space<vmem>>, %arg8: memref<256x128xf32, #tpu.memory_space<vmem>>, %arg9: memref<1000x32xf32, #tpu.memory_space<vmem>>, %arg10: memref<256x128xi32, #tpu.memory_space<vmem>>, %arg11: memref<256x128xi32, #tpu.memory_space<vmem>>, %arg12: memref<256x128xf32, #tpu.memory_space<vmem>>) attributes {dimension_semantics = [#tpu.dimension_semantics<arbitrary>], iteration_bounds = array<i64: 10>, scalar_prefetch = 0 : i64, scratch_operands = 0 : i64, tpu.core_type = #tpu.core_type<tc>, window_params = [{transform_indices = @transform_0, window_bounds = array<i64: 1000, 128>}, {pipeline_mode = #tpu.pipeline_mode<synchronous>, transform_indices = @transform_1, window_bounds = array<i64: 128, 64>}, {pipeline_mode = #tpu.pipeline_mode<synchronous>, transform_indices = @transform_2, window_bounds = array<i64: 1, 64>}, {pipeline_mode = #tpu.pipeline_mode<synchronous>, transform_indices = @transform_3, window_bounds = array<i64: 64, 32>}, {pipeline_mode = #tpu.pipeline_mode<synchronous>, transform_indices = @transform_4, window_bounds = array<i64: 1, 32>}, {transform_indices = @transform_5, window_bounds = array<i64: 256, 2, 128>}, {transform_indices = @transform_6, window_bounds = array<i64: 256, 128>}, {transform_indices = @transform_7, window_bounds = array<i64: 256, 128>}, {transform_indices = @transform_8, window_bounds = array<i64: 1000, 32>}, {transform_indices = @transform_9, window_bounds = array<i64: 256, 128>}, {transform_indices = @transform_10, window_bounds = array<i64: 256, 128>}, {transform_indices = @transform_11, window_bounds = array<i64: 256, 128>}]} {
    %get3A = arith.constant 0 : index
    %get3A_0 = arith.constant 0 : index
    %get3A_1 = vector.load %arg1[%get3A, %get3A_0] : memref<1000x128xf32, #tpu.memory_space<vmem>>, vector<1000x128xf32>
    %get3A_2 = arith.constant 0 : index
    %get3A_3 = arith.constant 0 : index
    %get3A_4 = vector.load %arg2[%get3A_2, %get3A_3] : memref<128x64xf32, #tpu.memory_space<vmem>>, vector<128x64xf32>
    %dot_general3A = arith.constant dense<0.000000e+00> : vector<1000x64xf32>
    %dot_general3A_5 = tpu.matmul %get3A_1, %get3A_4, %dot_general3A {dimension_numbers = #tpu.dot_dimension_numbers<[1], [0], [0], [1], [0, 0, 1, 1], [], []>, transpose_lhs_hint = false} : vector<1000x128xf32>, vector<128x64xf32>, vector<1000x64xf32> -> vector<1000x64xf32>
    %get3A_6 = arith.constant 0 : index
    %get3A_7 = arith.constant 0 : index
    %get3A_8 = vector.load %arg3[%get3A_6, %get3A_7] : memref<1x64xf32, #tpu.memory_space<vmem>>, vector<1x64xf32>
    %add3A = vector.broadcast %get3A_8 : vector<1x64xf32> to vector<1000x64xf32>
    %add3A_9 = arith.addf %dot_general3A_5, %add3A : vector<1000x64xf32>
    %max3A = arith.constant 0.000000e+00 : f32
    %max3A_10 = vector.broadcast %max3A : f32 to vector<1000x64xf32>
    %max3A_11 = arith.maximumf %add3A_9, %max3A_10 : vector<1000x64xf32>
    %get3A_12 = arith.constant 0 : index
    %get3A_13 = arith.constant 0 : index
    %get3A_14 = vector.load %arg4[%get3A_12, %get3A_13] : memref<64x32xf32, #tpu.memory_space<vmem>>, vector<64x32xf32>
    %dot_general3A_15 = arith.constant dense<0.000000e+00> : vector<1000x32xf32>
    %dot_general3A_16 = tpu.matmul %max3A_11, %get3A_14, %dot_general3A_15 {dimension_numbers = #tpu.dot_dimension_numbers<[1], [0], [0], [1], [0, 0, 1, 1], [], []>, transpose_lhs_hint = false} : vector<1000x64xf32>, vector<64x32xf32>, vector<1000x32xf32> -> vector<1000x32xf32>
    %get3A_17 = arith.constant 0 : index
    %get3A_18 = arith.constant 0 : index
    %get3A_19 = vector.load %arg5[%get3A_17, %get3A_18] : memref<1x32xf32, #tpu.memory_space<vmem>>, vector<1x32xf32>
    %add3A_20 = vector.broadcast %get3A_19 : vector<1x32xf32> to vector<1000x32xf32>
    %add3A_21 = arith.addf %dot_general3A_16, %add3A_20 : vector<1000x32xf32>
    %max3A_22 = arith.constant 0.000000e+00 : f32
    %max3A_23 = vector.broadcast %max3A_22 : f32 to vector<1000x32xf32>
    %max3A_24 = arith.maximumf %add3A_21, %max3A_23 : vector<1000x32xf32>
    %swap3A = arith.constant 0 : index
    %swap3A_25 = arith.constant 0 : index
    %swap3A_26 = vector.load %arg9[%swap3A, %swap3A_25] : memref<1000x32xf32, #tpu.memory_space<vmem>>, vector<1000x32xf32>
    tpu.vector_store %arg9[%swap3A, %swap3A_25], %max3A_24 {strides = array<i32>} : memref<1000x32xf32, #tpu.memory_space<vmem>>, vector<1000x32xf32>,
    %iota3A = tpu.iota {dimensions = array<i32: 0>} : vector<256x128xi32>
    %mul3A = arith.constant 256 : i32
    %mul3A_27 = arith.muli %arg0, %mul3A : i32
    %add3A_28 = vector.broadcast %mul3A_27 : i32 to vector<256x128xi32>
    %add3A_29 = arith.addi %iota3A, %add3A_28 : vector<256x128xi32>
    %iota3A_30 = tpu.iota {dimensions = array<i32: 1>} : vector<256x128xi32>
    %lt3A = arith.constant 2500 : i32
    %lt3A_31 = vector.broadcast %lt3A : i32 to vector<256x128xi32>
    %lt3A_32 = arith.cmpi slt, %add3A_29, %lt3A_31 : vector<256x128xi32>
    %and3A = arith.constant 63 : i32
    %and3A_33 = vector.broadcast %and3A : i32 to vector<256x128xi32>
    %and3A_34 = arith.andi %add3A_29, %and3A_33 : vector<256x128xi32>
    %mul3A_35 = arith.constant 128 : i32
    %mul3A_36 = vector.broadcast %mul3A_35 : i32 to vector<256x128xi32>
    %mul3A_37 = arith.muli %and3A_34, %mul3A_36 : vector<256x128xi32>
    %add3A_38 = arith.addi %mul3A_37, %iota3A_30 : vector<256x128xi32>
    %get3A_39 = arith.constant 0 : index
    %get3A_40 = arith.constant 0 : index
    %get3A_41 = arith.constant 0 : index
    %get3A_42 = vector.load %arg6[%get3A_39, %get3A_40, %get3A_41] : memref<256x2x128xi32, #tpu.memory_space<vmem>>, vector<256x1x128xi32>
    %get3A_43 = vector.shape_cast %get3A_42 : vector<256x1x128xi32> to vector<256x128xi32>
    %select_n3A = arith.select %lt3A_32, %get3A_43, %add3A_38 : vector<256x128xi1>, vector<256x128xi32>
    %swap3A_44 = arith.constant 0 : index
    %swap3A_45 = arith.constant 0 : index
    %swap3A_46 = vector.load %arg10[%swap3A_44, %swap3A_45] : memref<256x128xi32, #tpu.memory_space<vmem>>, vector<256x128xi32>
    tpu.vector_store %arg10[%swap3A_44, %swap3A_45], %select_n3A {strides = array<i32>} : memref<256x128xi32, #tpu.memory_space<vmem>>, vector<256x128xi32>,
    %get3A_47 = arith.constant 0 : index
    %get3A_48 = arith.constant 1 : index
    %get3A_49 = arith.constant 0 : index
    %get3A_50 = vector.load %arg6[%get3A_47, %get3A_48, %get3A_49] : memref<256x2x128xi32, #tpu.memory_space<vmem>>, vector<256x1x128xi32>
    %get3A_51 = vector.shape_cast %get3A_50 : vector<256x1x128xi32> to vector<256x128xi32>
    %mul3A_52 = arith.constant 4 : i32
    %mul3A_53 = vector.broadcast %mul3A_52 : i32 to vector<256x128xi32>
    %mul3A_54 = arith.muli %mul3A_53, %get3A_51 : vector<256x128xi32>
    %get3A_55 = arith.constant 0 : index
    %get3A_56 = arith.constant 0 : index
    %get3A_57 = vector.load %arg7[%get3A_55, %get3A_56] : memref<256x128xi32, #tpu.memory_space<vmem>>, vector<256x128xi32>
    %add3A_58 = arith.addi %mul3A_54, %get3A_57 : vector<256x128xi32>
    %select_n3A_59 = arith.select %lt3A_32, %add3A_58, %add3A_38 : vector<256x128xi1>, vector<256x128xi32>
    %swap3A_60 = arith.constant 0 : index
    %swap3A_61 = arith.constant 0 : index
    %swap3A_62 = vector.load %arg11[%swap3A_60, %swap3A_61] : memref<256x128xi32, #tpu.memory_space<vmem>>, vector<256x128xi32>
    tpu.vector_store %arg11[%swap3A_60, %swap3A_61], %select_n3A_59 {strides = array<i32>} : memref<256x128xi32, #tpu.memory_space<vmem>>, vector<256x128xi32>,
    %get3A_63 = arith.constant 0 : index
    %get3A_64 = arith.constant 0 : index
    %get3A_65 = vector.load %arg8[%get3A_63, %get3A_64] : memref<256x128xf32, #tpu.memory_space<vmem>>, vector<256x128xf32>
    %jit3A = arith.constant 0.000000e+00 : f32
    %broadcast_in_dim3A = vector.broadcast %jit3A : f32 to vector<256x128xf32>
    %select_n3A_66 = arith.select %lt3A_32, %get3A_65, %broadcast_in_dim3A : vector<256x128xi1>, vector<256x128xf32>
    %swap3A_67 = arith.constant 0 : index
    %swap3A_68 = arith.constant 0 : index
    %swap3A_69 = vector.load %arg12[%swap3A_67, %swap3A_68] : memref<256x128xf32, #tpu.memory_space<vmem>>, vector<256x128xf32>
    tpu.vector_store %arg12[%swap3A_67, %swap3A_68], %select_n3A_66 {strides = array<i32>} : memref<256x128xf32, #tpu.memory_space<vmem>>, vector<256x128xf32>,
    return
  }
  func.func @transform_0(%arg0: i32) -> (i32, i32) {
    %c0_i32 = arith.constant 0 : i32
    %c0_i32_0 = arith.constant 0 : i32
    return %arg0, %c0_i32 : i32, i32
  }
  func.func @transform_1(%arg0: i32) -> (i32, i32) {
    %c0_i32 = arith.constant 0 : i32
    %c0_i32_0 = arith.constant 0 : i32
    %c0_i32_1 = arith.constant 0 : i32
    return %c0_i32, %c0_i32_0 : i32, i32
  }
  func.func @transform_2(%arg0: i32) -> (i32, i32) {
    %c0_i32 = arith.constant 0 : i32
    %c0_i32_0 = arith.constant 0 : i32
    %c0_i32_1 = arith.constant 0 : i32
    return %c0_i32, %c0_i32_0 : i32, i32
  }
  func.func @transform_3(%arg0: i32) -> (i32, i32) {
    %c0_i32 = arith.constant 0 : i32
    %c0_i32_0 = arith.constant 0 : i32
    %c0_i32_1 = arith.constant 0 : i32
    return %c0_i32, %c0_i32_0 : i32, i32
  }
  func.func @transform_4(%arg0: i32) -> (i32, i32) {
    %c0_i32 = arith.constant 0 : i32
    %c0_i32_0 = arith.constant 0 : i32
    %c0_i32_1 = arith.constant 0 : i32
    return %c0_i32, %c0_i32_0 : i32, i32
  }
  func.func @transform_5(%arg0: i32) -> (i32, i32, i32) {
    %c0_i32 = arith.constant 0 : i32
    %c0_i32_0 = arith.constant 0 : i32
    %c0_i32_1 = arith.constant 0 : i32
    return %arg0, %c0_i32, %c0_i32_0 : i32, i32, i32
  }
  func.func @transform_6(%arg0: i32) -> (i32, i32) {
    %c0_i32 = arith.constant 0 : i32
    %c0_i32_0 = arith.constant 0 : i32
    return %arg0, %c0_i32 : i32, i32
  }
  func.func @transform_7(%arg0: i32) -> (i32, i32) {
    %c0_i32 = arith.constant 0 : i32
    %c0_i32_0 = arith.constant 0 : i32
    return %arg0, %c0_i32 : i32, i32
  }
  func.func @transform_8(%arg0: i32) -> (i32, i32) {
    %c0_i32 = arith.constant 0 : i32
    %c0_i32_0 = arith.constant 0 : i32
    return %arg0, %c0_i32 : i32, i32
  }
  func.func @transform_9(%arg0: i32) -> (i32, i32) {
    %c0_i32 = arith.constant 0 : i32
    %c0_i32_0 = arith.constant 0 : i32
    return %arg0, %c0_i32 : i32, i32
  }
  func.func @transform_10(%arg0: i32) -> (i32, i32) {
    %c0_i32 = arith.constant 0 : i32
    %c0_i32_0 = arith.constant 0 : i32
    return %arg0, %c0_i32 : i32, i32
  }
  func.func @transform_11(%arg0: i32) -> (i32, i32) {
    %c0_i32 = arith.constant 0 : i32
    %c0_i32_0 = arith.constant 0 : i32
    return %arg0, %c0_i32 : i32, i32
  }
}

</mosaic_0001>

<sc_bundles>
// kernel: kernel.5.cloned.1.call-start
scs
__scs_entry_jumppad:
0x0: {  	(pc) =	sbr.rel $0x88, $3  }
0x1: {  	(tag) =	ssettag $0x0;
	lr =	simm.s32 $0x1  }
0x2: {  	[smem:$0x3F96] =	sst lr;
	_ =	strace $0xD0000000  }
0x3: {  	_ = 	snop  }
0x4: {  	_ = 	snop  }
0x5: {  	_ = 	snop  }
0x6: {  	_ = 	snop  }
0x7: {  	_ = 	snop  }
__scs_overlays_trampoline_lowered:
0x8: {  	[smem:$0x3FA5] =	sst s0  }
0x9: {  	[smem:$0x3FA6] =	sst s1  }
0xa: {  	[smem:$0x3FA7] =	sst s2  }
0xb: {  	[smem:$0x3FA8] =	sst s3  }
0xc: {  	[smem:$0x3FA9] =	sst s4  }
0xd: {  	[smem:$0x3FAA] =	sst s5  }
0xe: {  	[smem:$0x3FAB] =	sst s6  }
0xf: {  	[smem:$0x3FAC] =	sst s7  }
0x10: {  	[smem:$0x3FAD] =	sst s8  }
0x11: {  	[smem:$0x3FAE] =	sst s9;
	s0 =	simm.s32 @!p0 $0x0  }
0x12: {  	s1 =	sld [smem:$0x3F94];
	s0 =	simm.s32 @p0 $0x1  }
0x13: {  	[smem:$0x3FAF] =	sst s0;
	s0 =	simm.s32 @!p1 $0x0  }
0x14: {  	s2 =	sld [smem:$0x3F93];
	s0 =	simm.s32 @p1 $0x1  }
0x15: {  	[smem:$0x3FB0] =	sst s0;
	s0 =	simm.s32 @!p2 $0x0  }
0x16: {  	s3 =	sld [smem:$0x3FDB];
	s0 =	simm.s32 @p2 $0x1  }
0x17: {  	s4 =	simm.s32 $0x1BF5;
	[smem:$0x3FB2] =	sst s0  }
0x18: {  	s0 =	sld [smem:$0x3F95];
	_ =	swait.ge [sflag:s4], $0x0  }
0x19: {  	s7 =	sld [smem:$0x3F96]  }
0x1a: {  	s8 =	sadd.s32 $0xFFFFE003, lr  }
0x1b: {  	s9 =	sadd.s32 $0xFFFFFEF7, lr;
	s5 =	simm.s32 $0xFFFFFFFF;
	p2 =	slt.u32 s8, $0xFFFFF086  }
0x1c: {  	p1 =	slt.u32 s9, $0xF7A;
	s5 =	simm.s32 @!p2 $0x0  }
0x1d: {  	s5 =	simm.s32 @p1 $0x1;
	p0 =	seq.s32 s7, s2  }
0x1e: {  	s7 =	smul.u32 @!p0 $0xF7A, s2;
	p2 =	seq.s32 @!p0 s5, $0x0  }
0x1f: {  	s9 =	smul.u32 $0xF7A, s1;
	s8 =	simm.s32 @!p0 $0x1BF5;
	p2 =	por !p2, p0  }
0x20: {  	[sflag:s8] =	ssyncset.s32 @!p0 $0xFFFFF086;
	s6 =	sadd.s32 @!p0 s3, s7;
	s7 =	simm.s32 @!p0 $0x108  }
0x21: {  	s3 =	sadd.s32 s3, s9;
	s6 =	sadd.s32 @!p0 $0x88, s6;
	s7 =	simm.s32 @p2 $0x1082  }
0x22: {  	[simem:s7], [sflag:s8] =	dma.local @!p0 [hbm:s6], $0xF7A  }
0x23: {  	s9 =	sor.u32 $0xD0000000, s2;
	s6 =	simm.s32 $0x108;
	_ =	swait.ge @!p0 [sflag:s8], $0x0  }
0x24: {  	s3 =	sadd.s32 $0x88, s3;
	s6 =	simm.s32 @!p1 $0x1082;
	[sflag:s4] =	ssyncset.s32 $0xFFFFF086  }
0x25: {  	[simem:s6], [sflag:s4] =	dma.local [hbm:s3], $0xF7A  }
0x26: {  	[smem:$0x3F96] =	sst s1;
	(tag) =	ssettag s2;
	_ =	strace s9  }
0x27: {  	s1 =	sld [smem:$0x3FA6]  }
0x28: {  	s2 =	sld [smem:$0x3FA7]  }
0x29: {  	s4 =	sld [smem:$0x3FA9]  }
0x2a: {  	p0 =	seq.s32 s5, $0x0;
	s5 =	sld [smem:$0x3FAA]  }
0x2b: {  	s6 =	sld [smem:$0x3FAB]  }
0x2c: {  	s7 =	sld [smem:$0x3FAC]  }
0x2d: {  	s3 =	simm.s32 $0x108;
	s8 =	sld [smem:$0x3FAD]  }
0x2e: {  	s3 =	simm.s32 @!p0 $0x1082;
	s9 =	sld [smem:$0x3FAE]  }
0x2f: {  	lr =	sadd.s32 s0, s3;
	s0 =	sld [smem:$0x3FA5]  }
0x30: {  	s3 =	sld [smem:$0x3FA8]  }
0x31: {  	[smem:$0x3FB1] =	sst s10  }
0x32: {  	s10 =	sld [smem:$0x3FAF];
	_ =	sdelay $0x3  }
0x33: {  	p0 =	seq.s32 s10, $0x1;
	s10 =	sld [smem:$0x3FB1];
	_ =	sdelay $0x3  }
0x34: {  	[smem:$0x3FB1] =	sst s10  }
0x35: {  	s10 =	sld [smem:$0x3FB0];
	_ =	sdelay $0x3  }
0x36: {  	p1 =	seq.s32 s10, $0x1;
	s10 =	sld [smem:$0x3FB1];
	_ =	sdelay $0x3  }
0x37: {  	[smem:$0x3FB1] =	sst s10  }
0x38: {  	s10 =	sld [smem:$0x3FB2]  }
0x39: {  	_ = 	snop;
	(pc) =	sbr.ind lr, $3  }
0x3a: {  	_ = 	snop  }
0x3b: {  	_ = 	snop  }
0x3c: {  	p2 =	seq.s32 s10, $0x1;
	s10 =	sld [smem:$0x3FB1]  }
0x3d: {  	_ =	shalt  }
0x3e: {  	_ =	shalt  }
0x3f: {  	_ =	shalt  }
0x40: {  	_ =	shalt  }
0x41: {  	_ =	shalt  }
0x42: {  	_ =	shalt  }
0x43: {  	_ =	shalt  }
0x44: {  	_ =	shalt  }
0x45: {  	_ =	shalt  }
0x46: {  	_ =	shalt  }
0x47: {  	_ =	shalt  }
0x48: {  	_ =	shalt  }
0x49: {  	_ =	shalt  }
0x4a: {  	_ =	shalt  }
0x4b: {  	_ =	shalt  }
0x4c: {  	_ =	shalt  }
0x4d: {  	_ =	shalt  }
0x4e: {  	_ =	shalt  }
0x4f: {  	_ =	shalt  }
0x50: {  	_ =	shalt  }
0x51: {  	_ =	shalt  }
0x52: {  	_ =	shalt  }
0x53: {  	_ =	shalt  }
0x54: {  	_ =	shalt  }
0x55: {  	_ =	shalt  }
0x56: {  	_ =	shalt  }
0x57: {  	_ =	shalt  }
0x58: {  	_ =	shalt  }
0x59: {  	_ =	shalt  }
0x5a: {  	_ =	shalt  }
0x5b: {  	_ =	shalt  }
0x5c: {  	_ =	shalt  }
0x5d: {  	_ =	shalt  }
0x5e: {  	_ =	shalt  }
0x5f: {  	_ =	shalt  }
0x60: {  	_ =	shalt  }
0x61: {  	_ =	shalt  }
0x62: {  	_ =	shalt  }
0x63: {  	_ =	shalt  }
0x64: {  	_ =	shalt  }
0x65: {  	_ =	shalt  }
0x66: {  	_ =	shalt  }
0x67: {  	_ =	shalt  }
0x68: {  	_ =	shalt  }
0x69: {  	_ =	shalt  }
0x6a: {  	_ =	shalt  }
0x6b: {  	_ =	shalt  }
0x6c: {  	_ =	shalt  }
0x6d: {  	_ =	shalt  }
0x6e: {  	_ =	shalt  }
0x6f: {  	_ =	shalt  }
0x70: {  	_ =	shalt  }
0x71: {  	_ =	shalt  }
0x72: {  	_ =	shalt  }
0x73: {  	_ =	shalt  }
0x74: {  	_ =	shalt  }
0x75: {  	_ =	shalt  }
0x76: {  	_ =	shalt  }
0x77: {  	_ =	shalt  }
0x78: {  	_ =	shalt  }
0x79: {  	_ =	shalt  }
0x7a: {  	_ =	shalt  }
0x7b: {  	_ =	shalt  }
0x7c: {  	_ =	shalt  }
0x7d: {  	_ =	shalt  }
0x7e: {  	_ =	shalt  }
0x7f: {  	_ =	shalt  }
0x80: {  	_ =	shalt  }
0x81: {  	_ =	shalt  }
0x82: {  	_ =	shalt  }
0x83: {  	_ =	shalt  }
0x84: {  	_ =	shalt  }
0x85: {  	_ =	shalt  }
0x86: {  	_ =	shalt  }
0x87: {  	_ =	shalt  }
.Lfunc_end0:
.L_simem_size_0:
called_computation_lowered:
.L_overlay_start_0:
0x88: {  	s2 =	sld [smem:$0x3FD9]  }
0x89: {  	s3 =	sld [smem:$0x3FFE];
	_ =	sdelay $0x1  }
0x8a: {  	s1 =	srdreg.scid  }
0x8b: {  	s0 =	sand.u32 $0x1, s1  }
0x8c: {  	s17 =	sshll.u32 s0, $0xA;
	s2 =	sadd.s32 s3, s2  }
0x8d: {  	s2 =	sadd.s32 s2, s17  }
0x8e: {  	[smem:$0x3FBD] =	sst s2  }
0x8f: {  	_ = 	snop  }
0x90: {  	s2 =	sld [smem:$0x3FD0];
	(tm) =	ssettm $0x1  }
0x91: {  	s18 =	sld [smem:$0x3FFB];
	_ =	sdelay $0x3  }
0x92: {  	_ =	strace s18  }
0x93: {  	s3 =	sld [smem:$0x3FFC];
	_ =	sdelay $0x3  }
0x94: {  	_ =	strace s3  }
0x95: {  	s3 =	sld [smem:$0x3FFD];
	_ =	sdelay $0x3  }
0x96: {  	_ =	strace s3  }
0x97: {  	_ =	strace $0x8FFFFFFF  }
0x98: {  	s19 =	sld [smem:$0x3FDB];
	_ =	sdelay $0x1  }
0x99: {  	s4 =	simm.s32 $_scs_section_size  }
0x9a: {  	s5 =	simm.s32 $_size__tile_overlayer_lowered;
	s6 =	simm.s32 $_tile_overlayer_lowered  }
0x9b: {  	s22 =	simm.s32 $0x1BFF;
	s21 =	sshll.u32 s6, $0x1;
	s3 =	sadd.s32 s4, s19  }
0x9c: {  	s7 =	simm.s32 $0x0;
	s20 =	sshll.u32 s5, $0x1;
	s5 =	sadd.s32 s21, s3  }
0x9d: {  	[timem:s7], [sflag:s22] =	dma.local [hbm:s5], s20  }
0x9e: {  	_ =	swait.ge [sflag:s22], s20  }
0x9f: {  	s4 =	ssub.s32 $0x0, s20;
	[sflag:s22] =	ssyncset.done $0x0  }
0xa0: {  	[sflag:s22] =	ssyncadd.s32 s4;
	_ =	sdelay $0x1  }
0xa1: {  	s23 =	simm.s32 $0x1B8B  }
0xa2: {  	_ =	swait.ge [sflag:s23], $0x1  }
0xa3: {  	[sflag:s23] =	ssyncset.done $0x0  }
0xa4: {  	s25 =	simm.s32 $0x1B8E;
	s24 =	sld [smem:$0x3FFE];
	[sflag:s23] =	ssyncadd.s32 $0xFFFFFFFF  }
0xa5: {  	s26 =	simm.s32 $execute0_lowered;
	[smem:$0x3FD2] =	sst s25  }
0xa6: {  	s5 =	sshll.u32 s26, $0x1;
	_ =	strace $0x80000046;
	[dreg:$0x1] =	wrdreg $0xFFFFFFFF  }
0xa7: {  	s28 =	simm.s32 $_size_execute0_lowered;
	s3 =	sadd.s32 s3, s5;
	[dreg:$0x0] =	wrdreg $0x0  }
0xa8: {  	s5 =	sshll.u32 s28, $0x1;
	[dreg:$0x2] =	wrdreg s3  }
0xa9: {  	[dreg:$0x3] =	wrdreg s5  }
0xaa: {  	[dreg:$0x4] =	wrdreg $0xC0  }
0xab: {  	_ =	task [dreg:s7], $0x5FFFF  }
0xac: {  	[dreg:$0x1] =	wrdreg $0xFFFFFFFF  }
0xad: {  	[dreg:$0x0] =	wrdreg $0x60  }
0xae: {  	[dreg:$0x2] =	wrdreg s24  }
0xaf: {  	[dreg:$0x3] =	wrdreg s2  }
0xb0: {  	[dreg:$0x4] =	wrdreg $0xA8000  }
0xb1: {  	[dreg:$0x5] =	wrdreg $0x9  }
0xb2: {  	_ =	task.clear_ibuf [dreg:s7], $0x6FFFF;
	_ =	strace $0x90000046  }
0xb3: {  	s29 =	simm.s32 $0x9;
	_ =	strace $0x80000048  }
0xb4: {  	_ =	swait.ge [sflag:s29], $0x1  }
0xb5: {  	[sflag:s29] =	ssyncadd.s32 $0xFFFFFFFF  }
0xb6: {  	_ =	strace $0x90000048  }
0xb7: {  	_ =	sfence  }
0xb8: {  	s30 =	sld [smem:$0x0];
	_ =	sdelay $0x2  }
0xb9: {  	s31 =	sshll.u32 s1, $0xD;
	s1 =	sshrl.u32 s1, $0x2  }
0xba: {  	s3 =	sand.u32 $0x4000, s31;
	s1 =	sadd.s32 s1, s30  }
0xbb: {  	s0 =	sor.u32 s3, s0;
	s1 =	sshll.u32 s1, $0x11  }
0xbc: {  	s0 =	sor.u32 s1, s0  }
0xbd: {  	s0 =	sadd.s32 $0x8F2B, s0  }
0xbe: {  	[sflag:s0] =	ssyncadd.remote.s32 $0x1  }
0xbf: {  	_ =	sfence.sel $0xFFFF  }
0xc0: {  	[dreg:$0x0] =	wrdreg $0xFFFFFFFF;
	(pc) =	sbr.abs _section_cstart, $3  }
0xc1: {  	[dreg:$0x1] =	wrdreg $0xFFFFFFFF  }
0xc2: {  	_ =	task.clear_ibuf [dreg:s7], $0x2FFFF;
	_ =	strace $0x9FFFFFFF  }
0xc3: {  	(tm) =	ssettm $0x7FFFFFFF  }
tec
execute0_lowered:
.L_overlay_start_1:
0x0: {  	(tag) =	ssettag $0x1  }
0x1: {  	s0 =	srdreg.scid;
	s1 =	rddreg [dreg:$0x0]  }
0x2: {  	s11 =	stileid.u32;
	s5 =	rddreg [dreg:$0x1]  }
0x3: {  	s0 =	sand.u32 $0x1, s0;
	s9 =	smul.u32 $0x14000, s11;
	s4 =	sadd.s32 $0x15A00, s1  }
0x4: {  	s2 =	sshll.u32 s0, $0x4;
	s7 =	smul.u32 $0x140000, s0;
	s0 =	ssub.s32 $0x2, s0  }
0x5: {  	s3 =	sor.u32 s11, s2;
	s2 =	rddreg [dreg:$0x2];
	s11 =	smul.u32 $0x50000, s11  }
0x6: {  	s10 =	sshrl.u32 s0, $0x1;
	s6 =	smul.u32 $0x500, s3;
	s3 =	simm.s32 $0x0  }
0x7: {  	s7 =	sadd.s32 s9, s7;
	s0 =	ssub.s32 s0, s10;
	s14 =	sadd.s32 s9, s2  }
0x8: {  	s9 =	simm.s32 $0x7800;
	[smem:$0x7FF] =	sst s3;
	s7 =	sshrl.u32 s7, $0x3  }
0x9: {  	s13 =	sshrl.u32 s11, $0x2;
	s0 =	smax.u32 s0, $0x1;
	_ =	strace $0x80000047  }
0xa: {  	s8 =	sadd.s32 s6, s1;
	s5 =	sadd.s32 s5, s6;
	[dreg:$0x8] =	wrdreg s0  }
0xb: {  	s11 =	simm.s32 $0x1;
	[dreg:$0x4] =	wrdreg s5;
	s10 =	sadd.s32 $0x1A00, s8  }
0xc: {  	s1 =	sadd.s32 s7, s1;
	s12 =	sadd.s32 $0xBA00, s8;
	[dreg:$0x5] =	wrdreg s10  }
0xd: {  	s8 =	sadd.s32 s13, s2;
	s1 =	sadd.s32 $0x1F800, s1;
	[dreg:$0x6] =	wrdreg s12  }
0xe: {  	s0 =	simm.s32 $0x5;
	[dreg:$0x7] =	wrdreg s1;
	s15 =	sadd.s32 $0x1000, s8  }
0xf: {  	s6 =	simm.s32 $0x4;
	s16 =	sadd.s32 $0x2000, s8;
	[dreg:$0x9] =	wrdreg s15  }
0x10: {  	s7 =	simm.s32 $0x80;
	s17 =	sadd.s32 $0x3000, s8;
	[dreg:$0xa] =	wrdreg s16  }
0x11: {  	s5 =	simm.s32 $0x3;
	s18 =	sadd.s32 $0x4000, s8;
	[dreg:$0xb] =	wrdreg s17  }
0x12: {  	s13 =	simm.s32 $0x0;
	s19 =	sadd.s32 $0x5000, s8;
	[dreg:$0xc] =	wrdreg s18  }
0x13: {  	s20 =	sadd.s32 $0x6000, s8;
	s21 =	sadd.s32 $0x7000, s8;
	[dreg:$0xd] =	wrdreg s19  }
0x14: {  	s22 =	sadd.s32 $0x8000, s8;
	s23 =	sadd.s32 $0x9000, s8;
	[dreg:$0xe] =	wrdreg s20  }
0x15: {  	s24 =	sadd.s32 $0xA000, s8;
	s25 =	sadd.s32 $0xB000, s8;
	[dreg:$0xf] =	wrdreg s21  }
0x16: {  	s26 =	sadd.s32 $0xC000, s8;
	s28 =	sadd.s32 $0x10000, s8;
	[dreg:$0x10] =	wrdreg s22  }
.Ltmp0:
0x17: {  	s29 =	sadd.s32 $0x11000, s8;
	[dreg:$0x11] =	wrdreg s23;
	(pc) =	sbr.rel .LBB2_1-.Ltmp0, $4  }
0x18: {  	s30 =	sadd.s32 $0x12000, s8;
	s31 =	sadd.s32 $0x13000, s8;
	[dreg:$0x12] =	wrdreg s24  }
0x19: {  	s1 =	simm.s32 $0x9800;
	s10 =	simm.s32 $0x8800;
	[dreg:$0x13] =	wrdreg s25  }
0x1a: {  	s12 =	simm.s32 $0x2;
	[dreg:$0x14] =	wrdreg s26;
	s23 =	sadd.s32 $0xD000, s8  }
0x1b: {  	v0 =	vimm.f32 $0.0e+00;
	s24 =	sadd.s32 $0xE000, s8;
	s25 =	sshrl.u32 s14, $0x3;
	s26 =	sadd.s32 $0xF000, s8  }
.LBB2_10:
0x1c: {  	_ =	swait.ge [sflag:s6], $0x1000  }
0x1d: {  	[sflag:s6] =	ssyncset.done $0x0  }
0x1e: {  	s14 =	stileid.u32;
	[sflag:s6] =	ssyncadd.s32 $0xFFFFF000  }
0x1f: {  	s14 =	sshll.u32 s14, $0x6;
	[bflag:$0x0] =	sbarrier.arrive $0xFFFF  }
0x20: {  	s14 =	sor.u32 $0x1C05, s14;
	s15 =	rddreg [dreg:$0x7]  }
0x21: {  	[hbm:s15], [sflag:s14] =	dma.local [spmem:s25], $0x2800  }
0x22: {  	_ =	swait.ge [sflag:s0], $0x2800  }
0x23: {  	s13 =	sadd.s32 $0x1, s13;
	s22 =	rddreg [dreg:$0x8]  }
0x24: {  	p0 =	sne.s32 s13, s22  }
.Ltmp1:
0x25: {  	_ = 	snop;
	(pc) =	sbr.rel @!p0 .LBB2_11-.Ltmp1, $3  }
0x26: {  	_ =	sdelay $0x1  }
0x27: {  	[sflag:s0] =	ssyncset.done $0x0  }
0x28: {  	[sflag:s0] =	ssyncadd.s32 $0xFFFFD800  }
.LBB2_1:
0x29: {  	s14 =	rddreg [dreg:$0x4]  }
0x2a: {  	s20 =	rddreg [dreg:$0x5]  }
0x2b: {  	[tilespmem:s3], [sflag:$0x3] =	stream.linear.gather [hbm4b:s14+s3], $0x2800, $0x38;
	[tilespmem:$0x1E800] =	vst v63  }
0x2c: {  	s15 =	simm.s32 $0x2800;
	s21 =	rddreg [dreg:$0x6]  }
0x2d: {  	[tilespmem:s15], [sflag:$0x3] =	stream.linear.gather [hbm4b:s20+s3], $0x2800, $0x38;
	[tilespmem:$0x1E800] =	vst v63  }
0x2e: {  	s22 =	simm.s32 $0x5000;
	s14 =	simm.s32 $0x80;
	s15 =	simm.s32 $0x0  }
0x2f: {  	[tilespmem:s22], [sflag:$0x4] =	stream.linear.gather [hbm4b:s21+s3], $0x2800, $0x38;
	[tilespmem:$0x1E800] =	vst v63  }
.LBB2_2:
0x30: {  	p0 =	sne.s32 s14, $0x3F80;
	[tilespmem:s15+$0x9800] =	vst v0;
	s16 =	smov.u32 s14;
	s14 =	sadd.s32 $0x80, s14  }
.Ltmp2:
0x31: {  	[tilespmem:s15+$0x9810] =	vst v0;
	(pc) =	sbr.rel @p0 .LBB2_2-.Ltmp2, $2  }
0x32: {  	_ =	sdelay $0x2  }
0x33: {  	s15 =	sshra.s32 s16, $0x2  }
0x34: {  	[tilespmem:s15+$0x9800] =	vst v0  }
0x35: {  	[tilespmem:s15+$0x9810] =	vst v0  }
0x36: {  	[spmem:s8] =	stream.linear.scatter [tilespmem:s1], [sflag:$0x5], $0x1000, $0x38;
	[tilespmem:$0x1E800] =	vst v63  }
0x37: {  	_ =	swait.ge [sflag:s0], $0x1000  }
0x38: {  	[sflag:s0] =	ssyncset.done $0x0  }
0x39: {  	s14 =	rddreg [dreg:$0x9];
	[sflag:s0] =	ssyncadd.s32 $0xFFFFF000  }
0x3a: {  	[spmem:s14] =	stream.linear.scatter [tilespmem:s1], [sflag:$0x5], $0x1000, $0x38;
	[tilespmem:$0x1E800] =	vst v63  }
0x3b: {  	_ =	swait.ge [sflag:s0], $0x1000  }
0x3c: {  	[sflag:s0] =	ssyncset.done $0x0  }
0x3d: {  	s20 =	rddreg [dreg:$0xa];
	[sflag:s0] =	ssyncadd.s32 $0xFFFFF000  }
0x3e: {  	[spmem:s20] =	stream.linear.scatter [tilespmem:s1], [sflag:$0x5], $0x1000, $0x38;
	[tilespmem:$0x1E800] =	vst v63  }
0x3f: {  	_ =	swait.ge [sflag:s0], $0x1000  }
0x40: {  	[sflag:s0] =	ssyncset.done $0x0  }
0x41: {  	s21 =	rddreg [dreg:$0xb];
	[sflag:s0] =	ssyncadd.s32 $0xFFFFF000  }
0x42: {  	[spmem:s21] =	stream.linear.scatter [tilespmem:s1], [sflag:$0x5], $0x1000, $0x38;
	[tilespmem:$0x1E800] =	vst v63  }
0x43: {  	_ =	swait.ge [sflag:s0], $0x1000  }
0x44: {  	[sflag:s0] =	ssyncset.done $0x0  }
0x45: {  	s22 =	rddreg [dreg:$0xc];
	[sflag:s0] =	ssyncadd.s32 $0xFFFFF000  }
0x46: {  	[spmem:s22] =	stream.linear.scatter [tilespmem:s1], [sflag:$0x5], $0x1000, $0x38;
	[tilespmem:$0x1E800] =	vst v63  }
0x47: {  	_ =	swait.ge [sflag:s0], $0x1000  }
0x48: {  	[sflag:s0] =	ssyncset.done $0x0  }
0x49: {  	s15 =	rddreg [dreg:$0xd];
	[sflag:s0] =	ssyncadd.s32 $0xFFFFF000  }
0x4a: {  	[spmem:s15] =	stream.linear.scatter [tilespmem:s1], [sflag:$0x5], $0x1000, $0x38;
	[tilespmem:$0x1E800] =	vst v63  }
0x4b: {  	_ =	swait.ge [sflag:s0], $0x1000  }
0x4c: {  	[sflag:s0] =	ssyncset.done $0x0  }
0x4d: {  	s16 =	rddreg [dreg:$0xe];
	[sflag:s0] =	ssyncadd.s32 $0xFFFFF000  }
0x4e: {  	[spmem:s16] =	stream.linear.scatter [tilespmem:s1], [sflag:$0x5], $0x1000, $0x38;
	[tilespmem:$0x1E800] =	vst v63  }
0x4f: {  	_ =	swait.ge [sflag:s0], $0x1000  }
0x50: {  	[sflag:s0] =	ssyncset.done $0x0  }
0x51: {  	s17 =	rddreg [dreg:$0xf];
	[sflag:s0] =	ssyncadd.s32 $0xFFFFF000  }
0x52: {  	[spmem:s17] =	stream.linear.scatter [tilespmem:s1], [sflag:$0x5], $0x1000, $0x38;
	[tilespmem:$0x1E800] =	vst v63  }
0x53: {  	_ =	swait.ge [sflag:s0], $0x1000  }
0x54: {  	[sflag:s0] =	ssyncset.done $0x0  }
0x55: {  	s18 =	rddreg [dreg:$0x10];
	[sflag:s0] =	ssyncadd.s32 $0xFFFFF000  }
0x56: {  	[spmem:s18] =	stream.linear.scatter [tilespmem:s1], [sflag:$0x5], $0x1000, $0x38;
	[tilespmem:$0x1E800] =	vst v63  }
0x57: {  	_ =	swait.ge [sflag:s0], $0x1000  }
0x58: {  	[sflag:s0] =	ssyncset.done $0x0  }
0x59: {  	s19 =	rddreg [dreg:$0x11];
	[sflag:s0] =	ssyncadd.s32 $0xFFFFF000  }
0x5a: {  	[spmem:s19] =	stream.linear.scatter [tilespmem:s1], [sflag:$0x5], $0x1000, $0x38;
	[tilespmem:$0x1E800] =	vst v63  }
0x5b: {  	_ =	swait.ge [sflag:s0], $0x1000  }
0x5c: {  	[sflag:s0] =	ssyncset.done $0x0  }
0x5d: {  	s20 =	rddreg [dreg:$0x12];
	[sflag:s0] =	ssyncadd.s32 $0xFFFFF000  }
0x5e: {  	[spmem:s20] =	stream.linear.scatter [tilespmem:s1], [sflag:$0x5], $0x1000, $0x38;
	[tilespmem:$0x1E800] =	vst v63  }
0x5f: {  	_ =	swait.ge [sflag:s0], $0x1000  }
0x60: {  	[sflag:s0] =	ssyncset.done $0x0  }
0x61: {  	s21 =	rddreg [dreg:$0x13];
	[sflag:s0] =	ssyncadd.s32 $0xFFFFF000  }
0x62: {  	[spmem:s21] =	stream.linear.scatter [tilespmem:s1], [sflag:$0x5], $0x1000, $0x38;
	[tilespmem:$0x1E800] =	vst v63  }
0x63: {  	_ =	swait.ge [sflag:s0], $0x1000  }
0x64: {  	[sflag:s0] =	ssyncset.done $0x0  }
0x65: {  	s22 =	rddreg [dreg:$0x14];
	[sflag:s0] =	ssyncadd.s32 $0xFFFFF000  }
0x66: {  	[spmem:s22] =	stream.linear.scatter [tilespmem:s1], [sflag:$0x5], $0x1000, $0x38;
	[tilespmem:$0x1E800] =	vst v63  }
0x67: {  	_ =	swait.ge [sflag:s0], $0x1000  }
0x68: {  	[sflag:s0] =	ssyncset.done $0x0  }
0x69: {  	[sflag:s0] =	ssyncadd.s32 $0xFFFFF000  }
0x6a: {  	[spmem:s23] =	stream.linear.scatter [tilespmem:s1], [sflag:$0x5], $0x1000, $0x38;
	[tilespmem:$0x1E800] =	vst v63  }
0x6b: {  	_ =	swait.ge [sflag:s0], $0x1000  }
0x6c: {  	[sflag:s0] =	ssyncset.done $0x0  }
0x6d: {  	[sflag:s0] =	ssyncadd.s32 $0xFFFFF000  }
0x6e: {  	[spmem:s24] =	stream.linear.scatter [tilespmem:s1], [sflag:$0x5], $0x1000, $0x38;
	[tilespmem:$0x1E800] =	vst v63  }
0x6f: {  	_ =	swait.ge [sflag:s0], $0x1000  }
0x70: {  	[sflag:s0] =	ssyncset.done $0x0  }
0x71: {  	[sflag:s0] =	ssyncadd.s32 $0xFFFFF000  }
0x72: {  	[spmem:s26] =	stream.linear.scatter [tilespmem:s1], [sflag:$0x5], $0x1000, $0x38;
	[tilespmem:$0x1E800] =	vst v63  }
0x73: {  	_ =	swait.ge [sflag:s0], $0x1000  }
0x74: {  	[sflag:s0] =	ssyncset.done $0x0  }
0x75: {  	[sflag:s0] =	ssyncadd.s32 $0xFFFFF000  }
0x76: {  	[spmem:s28] =	stream.linear.scatter [tilespmem:s1], [sflag:$0x5], $0x1000, $0x38;
	[tilespmem:$0x1E800] =	vst v63  }
0x77: {  	_ =	swait.ge [sflag:s0], $0x1000  }
0x78: {  	[sflag:s0] =	ssyncset.done $0x0  }
0x79: {  	[sflag:s0] =	ssyncadd.s32 $0xFFFFF000  }
0x7a: {  	[spmem:s29] =	stream.linear.scatter [tilespmem:s1], [sflag:$0x5], $0x1000, $0x38;
	[tilespmem:$0x1E800] =	vst v63  }
0x7b: {  	_ =	swait.ge [sflag:s0], $0x1000  }
0x7c: {  	[sflag:s0] =	ssyncset.done $0x0  }
0x7d: {  	[sflag:s0] =	ssyncadd.s32 $0xFFFFF000  }
0x7e: {  	[spmem:s30] =	stream.linear.scatter [tilespmem:s1], [sflag:$0x5], $0x1000, $0x38;
	[tilespmem:$0x1E800] =	vst v63  }
0x7f: {  	_ =	swait.ge [sflag:s0], $0x1000  }
0x80: {  	[sflag:s0] =	ssyncset.done $0x0  }
0x81: {  	[sflag:s0] =	ssyncadd.s32 $0xFFFFF000  }
0x82: {  	[spmem:s31] =	stream.linear.scatter [tilespmem:s1], [sflag:$0x5], $0x1000, $0x38;
	[tilespmem:$0x1E800] =	vst v63  }
0x83: {  	_ =	swait.ge [sflag:s0], $0x1000  }
0x84: {  	[sflag:s0] =	ssyncset.done $0x0  }
0x85: {  	[sflag:s0] =	ssyncadd.s32 $0xFFFFF000  }
0x86: {  	_ =	swait.ge [sflag:s5], $0x2800  }
0x87: {  	[sflag:s5] =	ssyncset.done $0x0  }
0x88: {  	[sflag:s5] =	ssyncadd.s32 $0xFFFFD800  }
0x89: {  	_ =	swait.ge [sflag:s5], $0x2800  }
0x8a: {  	[sflag:s5] =	ssyncset.done $0x0  }
0x8b: {  	[sflag:s5] =	ssyncadd.s32 $0xFFFFD800  }
0x8c: {  	_ =	swait.ge [sflag:s6], $0x2800  }
0x8d: {  	[sflag:s6] =	ssyncset.done $0x0  }
0x8e: {  	[sflag:s6] =	ssyncadd.s32 $0xFFFFD800  }
0x8f: {  	s14 =	simm.s32 $0x0;
	[bflag:$0x0] =	sbarrier.arrive $0xFFFF  }
0x90: {  	[tilespmem:s9], [sflag:$0x1] =	stream.indirect.gather [hbm4b:s4+s7], $0x20, s14, s7, $0xb8;
	[tilespmem:$0x1E800] =	vst v63  }
0x91: {  	s15 =	simm.s32 $0x5000;
	s16 =	simm.s32 $0x5080  }
0x92: {  	[tilespmem:s10], [sflag:$0x2] =	stream.indirect.gather [hbm4b:s4+s7], $0x20, s7, s7, $0xb8;
	[tilespmem:$0x1E800] =	vst v63  }
.LBB2_4:
0x93: {  	_ =	swait.ge [sflag:s11], $0x1000  }
0x94: {  	[sflag:s11] =	ssyncset.done $0x0  }
0x95: {  	s19 =	simm.s32 $0x7900;
	[sflag:s11] =	ssyncadd.s32 $0xFFFFF000  }
0x96: {  	v7 =	vld [tilespmem:s19+$0xFFFFFFA0]  }
0x97: {  	v4 =	vld [tilespmem:s19+$0xFFFFFFF0]  }
0x98: {  	v1 =	vld [tilespmem:s19+$0xFFFFFF60]  }
0x99: {  	v8 =	vld [tilespmem:s19+$0xFFFFFFD0]  }
0x9a: {  	v5 =	vmov s15;
	v9 =	vld [tilespmem:s19+$0x80]  }
0x9b: {  	v12 =	vld [tilespmem:s19+$0xFFFFFF10]  }
0x9c: {  	v16 =	vld [tilespmem:s19+$0xE0]  }
0x9d: {  	v11 =	vld [tilespmem:s19+$0xFFFFFF40]  }
0x9e: {  	s17 =	simm.s32 $0x0;
	v3 =	vld [tilespmem:s19+$0xFFFFFF90]  }
0x9f: {  	v2 =	vld.idx.msk [tilespmem:v5+s17+$0x0 ss:$0x1], $0xffff  }
0xa0: {  	v10 =	vld [tilespmem:s19+$0xFFFFFFC0]  }
0xa1: {  	v13 =	vld [tilespmem:s19+$0xFFFFFF00]  }
0xa2: {  	v14 =	vld [tilespmem:s19+$0xD0]  }
0xa3: {  	v23 =	vld [tilespmem:s19+$0xC0]  }
0xa4: {  	v21 =	vld [tilespmem:s19+$0x90];
	v19 =	vbroadcast v2, $0x0;
	v6 =	vbroadcast v2, $0xF  }
0xa5: {  	v22 =	vld [tilespmem:s19+$0xFFFFFF50];
	v20 =	vbroadcast v2, $0x2;
	v18 =	vbroadcast v2, $0xE  }
0xa6: {  	v17 =	vld [tilespmem:s19+$0xB0];
	v15 =	vbroadcast v2, $0xC;
	v25 =	vmul.f32 v19, v13  }
0xa7: {  	s18 =	sshll.u32 s14, $0xA;
	s20 =	simm.s32 $0x7900;
	s17 =	simm.s32 $0x40;
	v13 =	vbroadcast v2, $0xD;
	v24 =	vmul.f32 v11, v20;
	v11 =	vld [tilespmem:s19+$0x60]  }
.LBB2_5:
0xa8: {  	p0 =	sne.s32 s17, $0x1C0  }
0xa9: {  	[tilespmem:s19+$0xFFFFFF00] =	vst v25;
	v25 =	vld [tilespmem:s19+$0xFFFFFFB0];
	v23 =	vmul.f32 v23, v18;
	v16 =	vmul.f32 v16, v6;
	s20 =	sadd.s32 $0x200, s20;
	s21 =	smov.u32 s17;
	s17 =	sadd.s32 $0x40, s17  }
0xaa: {  	[tilespmem:s19+$0xFFFFFF40] =	vst v24;
	v24 =	vbroadcast v2, $0xA;
	v21 =	vmul.f32 v21, v15;
	v26 =	vld [tilespmem:s19+$0xA0]  }
0xab: {  	v12 =	vmul.f32 v12, v19;
	v19 =	vmul.f32 v22, v20;
	v20 =	vld [tilespmem:s19+$0x70];
	[tilespmem:s19+$0xE0] =	vst v16  }
0xac: {  	v16 =	vbroadcast v2, $0x5;
	v22 =	vld [tilespmem:s19+$0xFFFFFFE0];
	v17 =	vmul.f32 v17, v13;
	[tilespmem:s19+$0xC0] =	vst v23  }
0xad: {  	v14 =	vmul.f32 v14, v18;
	[tilespmem:s19+$0xFFFFFF10] =	vst v12;
	v12 =	vbroadcast v2, $0x6;
	v23 =	vld [tilespmem:s19+$0x40]  }
0xae: {  	v27 =	vbroadcast v2, $0xB;
	v7 =	vmul.f32 v7, v16;
	v18 =	vld [tilespmem:s19+$0xFFFFFF20];
	[tilespmem:s19+$0x90] =	vst v21  }
0xaf: {  	v21 =	vbroadcast v2, $0x9;
	[tilespmem:s19+$0xFFFFFF50] =	vst v19;
	v19 =	vld [tilespmem:s19+$0x20];
	v13 =	vmul.f32 v26, v13  }
0xb0: {  	v16 =	vmul.f32 v25, v16;
	v25 =	vld [tilespmem:s19+$0x50];
	v20 =	vmul.f32 v20, v27;
	[tilespmem:s19+$0xD0] =	vst v14  }
0xb1: {  	v9 =	vmul.f32 v9, v15;
	v14 =	vbroadcast v2, $0x7;
	v26 =	vld [tilespmem:s19+$0x30];
	[tilespmem:s19+$0xA0] =	vst v13  }
0xb2: {  	v10 =	vmul.f32 v10, v12;
	v13 =	vbroadcast v2, $0x3;
	v15 =	vld [tilespmem:s19+$0x0];
	[tilespmem:s19+$0x70] =	vst v20  }
0xb3: {  	v11 =	vmul.f32 v11, v27;
	v8 =	vmul.f32 v8, v12;
	v12 =	vld [tilespmem:s19+$0x10];
	[tilespmem:s19+$0x80] =	vst v9  }
0xb4: {  	v20 =	vbroadcast v2, $0x8;
	v23 =	vmul.f32 v23, v24;
	v9 =	vld [tilespmem:s19+$0xFFFFFF30];
	[tilespmem:s19+$0xB0] =	vst v17  }
0xb5: {  	v17 =	vbroadcast v2, $0x1;
	v27 =	vld [tilespmem:s19+$0xFFFFFF70];
	[tilespmem:s19+$0xFFFFFFD0] =	vst v8;
	v24 =	vmul.f32 v25, v24  }
0xb6: {  	v4 =	vmul.f32 v4, v14;
	v8 =	vmul.f32 v22, v14;
	[tilespmem:s19+$0xFFFFFFC0] =	vst v10;
	v10 =	vld [tilespmem:s19+$0xF0]  }
0xb7: {  	v22 =	vmul.f32 v26, v21;
	v14 =	vld [tilespmem:s19+$0xFFFFFF80];
	[tilespmem:s19+$0xFFFFFFA0] =	vst v7;
	v15 =	vmul.f32 v15, v20  }
0xb8: {  	v7 =	vld [tilespmem:s20+$0xFFFFFFA0];
	[tilespmem:s19+$0xFFFFFFF0] =	vst v4;
	v20 =	vmul.f32 v12, v20;
	v12 =	vmul.f32 v19, v21  }
0xb9: {  	v4 =	vmul.f32 v18, v17;
	v17 =	vmul.f32 v9, v17;
	[tilespmem:s19+$0x60] =	vst v11  }
0xba: {  	v1 =	vmul.f32 v1, v13;
	v9 =	vmul.f32 v27, v13;
	[tilespmem:s19+$0xFFFFFFB0] =	vst v16  }
0xbb: {  	v2 =	vbroadcast v2, $0x4;
	[tilespmem:s19+$0xFFFFFF20] =	vst v4;
	v4 =	vmul.f32 v10, v6  }
0xbc: {  	[tilespmem:s19+$0xFFFFFF60] =	vst v1  }
0xbd: {  	v6 =	vmul.f32 v14, v2;
	v1 =	vmul.f32 v3, v2;
	[tilespmem:s19+$0x40] =	vst v23  }
0xbe: {  	[tilespmem:s19+$0xFFFFFFE0] =	vst v8  }
0xbf: {  	[tilespmem:s19+$0xF0] =	vst v4  }
0xc0: {  	[tilespmem:s19+$0xFFFFFF90] =	vst v1  }
0xc1: {  	[tilespmem:s19+$0xFFFFFF70] =	vst v9  }
0xc2: {  	v4 =	vld [tilespmem:s20+$0xFFFFFFF0];
	[tilespmem:s19+$0x20] =	vst v12  }
0xc3: {  	v1 =	vld [tilespmem:s20+$0xFFFFFF60];
	[tilespmem:s19+$0x30] =	vst v22  }
0xc4: {  	v8 =	vld [tilespmem:s20+$0xFFFFFFD0];
	[tilespmem:s19+$0xFFFFFF80] =	vst v6  }
0xc5: {  	v9 =	vld [tilespmem:s20+$0x80];
	[tilespmem:s19+$0x50] =	vst v24  }
0xc6: {  	v12 =	vld [tilespmem:s20+$0xFFFFFF10];
	[tilespmem:s19+$0x0] =	vst v15  }
0xc7: {  	v16 =	vld [tilespmem:s20+$0xE0];
	[tilespmem:s19+$0xFFFFFF30] =	vst v17  }
0xc8: {  	s21 =	sshra.s32 s21, $0x2;
	v11 =	vld [tilespmem:s20+$0xFFFFFF40];
	[tilespmem:s19+$0x10] =	vst v20;
	s19 =	smov.u32 s20  }
0xc9: {  	v2 =	vld.idx.msk [tilespmem:v5+s21+$0x0 ss:$0x1], $0xffff  }
0xca: {  	v3 =	vld [tilespmem:s20+$0xFFFFFF90]  }
0xcb: {  	v10 =	vld [tilespmem:s20+$0xFFFFFFC0]  }
0xcc: {  	v13 =	vld [tilespmem:s20+$0xFFFFFF00]  }
0xcd: {  	v14 =	vld [tilespmem:s20+$0xD0]  }
.Ltmp3:
0xce: {  	v23 =	vld [tilespmem:s20+$0xC0];
	(pc) =	sbr.rel @p0 .LBB2_5-.Ltmp3, $4  }
0xcf: {  	v19 =	vbroadcast v2, $0x0;
	v6 =	vbroadcast v2, $0xF;
	v21 =	vld [tilespmem:s20+$0x90]  }
0xd0: {  	v20 =	vbroadcast v2, $0x2;
	v18 =	vbroadcast v2, $0xE;
	v22 =	vld [tilespmem:s20+$0xFFFFFF50]  }
0xd1: {  	v25 =	vmul.f32 v19, v13;
	v13 =	vbroadcast v2, $0xD;
	v17 =	vld [tilespmem:s20+$0xB0]  }
0xd2: {  	v15 =	vbroadcast v2, $0xC;
	v24 =	vmul.f32 v11, v20;
	v11 =	vld [tilespmem:s20+$0x60]  }
0xd3: {  	[tilespmem:s19+$0xFFFFFF00] =	vst v25;
	v5 =	vmul.f32 v16, v6  }
0xd4: {  	v16 =	vmul.f32 v23, v18;
	[tilespmem:s19+$0xFFFFFF40] =	vst v24  }
0xd5: {  	v12 =	vmul.f32 v12, v19;
	[tilespmem:s19+$0xE0] =	vst v5  }
0xd6: {  	v23 =	vld [tilespmem:s19+$0xA0];
	v9 =	vmul.f32 v9, v15;
	[tilespmem:s19+$0xC0] =	vst v16  }
0xd7: {  	v19 =	vld [tilespmem:s19+$0x70];
	v5 =	vmul.f32 v21, v15;
	v20 =	vmul.f32 v22, v20;
	[tilespmem:s19+$0xFFFFFF10] =	vst v12  }
0xd8: {  	v12 =	vmul.f32 v14, v18;
	v18 =	vbroadcast v2, $0xB;
	[tilespmem:s19+$0x80] =	vst v9  }
0xd9: {  	[tilespmem:s19+$0x90] =	vst v5  }
0xda: {  	[tilespmem:s19+$0xFFFFFF50] =	vst v20;
	v11 =	vmul.f32 v11, v18  }
0xdb: {  	[tilespmem:s19+$0xD0] =	vst v12;
	v20 =	vmul.f32 v23, v13  }
0xdc: {  	v9 =	vbroadcast v2, $0x7;
	v19 =	vmul.f32 v19, v18;
	[tilespmem:s19+$0x60] =	vst v11  }
0xdd: {  	v14 =	vld [tilespmem:s19+$0xFFFFFF20];
	v12 =	vbroadcast v2, $0x6;
	v13 =	vmul.f32 v17, v13;
	[tilespmem:s19+$0xA0] =	vst v20  }
0xde: {  	v16 =	vld [tilespmem:s19+$0xFFFFFFB0];
	v4 =	vmul.f32 v4, v9;
	[tilespmem:s19+$0x70] =	vst v19  }
0xdf: {  	v5 =	vld [tilespmem:s19+$0xFFFFFFE0];
	v17 =	vbroadcast v2, $0x5;
	v8 =	vmul.f32 v8, v12;
	[tilespmem:s19+$0xB0] =	vst v13  }
0xe0: {  	v18 =	vbroadcast v2, $0x1;
	v10 =	vmul.f32 v10, v12;
	[tilespmem:s19+$0xFFFFFFF0] =	vst v4  }
0xe1: {  	v21 =	vld [tilespmem:s19+$0x40];
	v7 =	vmul.f32 v7, v17;
	[tilespmem:s19+$0xFFFFFFD0] =	vst v8  }
0xe2: {  	v14 =	vmul.f32 v14, v18;
	[tilespmem:s19+$0xFFFFFFC0] =	vst v10  }
0xe3: {  	v13 =	vld [tilespmem:s19+$0xFFFFFF70];
	[tilespmem:s19+$0xFFFFFFA0] =	vst v7;
	v7 =	vmul.f32 v16, v17;
	v16 =	vbroadcast v2, $0x3  }
0xe4: {  	v4 =	vbroadcast v2, $0xA;
	v17 =	vld [tilespmem:s19+$0xF0];
	[tilespmem:s19+$0xFFFFFF20] =	vst v14;
	v5 =	vmul.f32 v5, v9  }
0xe5: {  	v8 =	vld [tilespmem:s19+$0xFFFFFF80];
	v9 =	vbroadcast v2, $0x4;
	v1 =	vmul.f32 v1, v16;
	[tilespmem:s19+$0xFFFFFFB0] =	vst v7  }
0xe6: {  	v15 =	vld [tilespmem:s19+$0x20];
	v7 =	vmul.f32 v21, v4;
	[tilespmem:s19+$0xFFFFFFE0] =	vst v5  }
0xe7: {  	v19 =	vld [tilespmem:s19+$0x30];
	v3 =	vmul.f32 v3, v9;
	[tilespmem:s19+$0xFFFFFF60] =	vst v1  }
0xe8: {  	v22 =	vld [tilespmem:s19+$0x50];
	v5 =	vmul.f32 v13, v16;
	[tilespmem:s19+$0x40] =	vst v7  }
0xe9: {  	v12 =	vld [tilespmem:s19+$0x0];
	[tilespmem:s19+$0xFFFFFF90] =	vst v3;
	v1 =	vmul.f32 v17, v6;
	v6 =	vbroadcast v2, $0x9  }
0xea: {  	v11 =	vld [tilespmem:s19+$0xFFFFFF30];
	[tilespmem:s19+$0xFFFFFF70] =	vst v5;
	v5 =	vmul.f32 v8, v9  }
0xeb: {  	v10 =	vld [tilespmem:s19+$0x10];
	[tilespmem:s19+$0xF0] =	vst v1;
	v1 =	vmul.f32 v15, v6  }
0xec: {  	v2 =	vbroadcast v2, $0x8;
	v3 =	vmul.f32 v19, v6;
	[tilespmem:s19+$0xFFFFFF80] =	vst v5  }
0xed: {  	[tilespmem:s19+$0x20] =	vst v1;
	v1 =	vmul.f32 v22, v4  }
0xee: {  	[tilespmem:s19+$0x30] =	vst v3;
	v3 =	vmul.f32 v12, v2  }
0xef: {  	v4 =	vmul.f32 v11, v18;
	[tilespmem:s19+$0x50] =	vst v1  }
0xf0: {  	v1 =	vmul.f32 v10, v2;
	[tilespmem:s19+$0x0] =	vst v3  }
0xf1: {  	s17 =	sshrl.u32 s18, $0x2;
	[tilespmem:s19+$0xFFFFFF30] =	vst v4  }
0xf2: {  	s22 =	sadd.s32 $0x2800, s17;
	[tilespmem:s19+$0x10] =	vst v1  }
0xf3: {  	[spmem:s2] =	stream.indirect.scatter.add.f32 [tilespmem:s9], [sflag:$0x3], $0x20, s22, s7, $0xb8;
	[tilespmem:$0x1E800] =	vst v63  }
0xf4: {  	_ =	swait.ge [sflag:s12], $0x1000  }
0xf5: {  	[sflag:s12] =	ssyncset.done $0x0  }
0xf6: {  	s19 =	simm.s32 $0x8900;
	[sflag:s12] =	ssyncadd.s32 $0xFFFFF000  }
0xf7: {  	v7 =	vld [tilespmem:s19+$0xFFFFFFA0]  }
0xf8: {  	v4 =	vld [tilespmem:s19+$0xFFFFFFF0]  }
0xf9: {  	v1 =	vld [tilespmem:s19+$0xFFFFFF60]  }
0xfa: {  	v5 =	vmov s16;
	v8 =	vld [tilespmem:s19+$0xFFFFFFD0]  }
0xfb: {  	v9 =	vld [tilespmem:s19+$0x80]  }
0xfc: {  	v12 =	vld [tilespmem:s19+$0xFFFFFF10]  }
0xfd: {  	v16 =	vld [tilespmem:s19+$0xE0]  }
0xfe: {  	s20 =	simm.s32 $0x0;
	v11 =	vld [tilespmem:s19+$0xFFFFFF40]  }
0xff: {  	v2 =	vld.idx.msk [tilespmem:v5+s20+$0x0 ss:$0x1], $0xffff  }
0x100: {  	v3 =	vld [tilespmem:s19+$0xFFFFFF90]  }
0x101: {  	v10 =	vld [tilespmem:s19+$0xFFFFFFC0]  }
0x102: {  	v13 =	vld [tilespmem:s19+$0xFFFFFF00]  }
0x103: {  	v14 =	vld [tilespmem:s19+$0xD0]  }
0x104: {  	v23 =	vld [tilespmem:s19+$0xC0]  }
0x105: {  	v21 =	vld [tilespmem:s19+$0x90];
	v19 =	vbroadcast v2, $0x0;
	v6 =	vbroadcast v2, $0xF  }
0x106: {  	v22 =	vld [tilespmem:s19+$0xFFFFFF50];
	v20 =	vbroadcast v2, $0x2;
	v18 =	vbroadcast v2, $0xE  }
0x107: {  	v17 =	vld [tilespmem:s19+$0xB0];
	v15 =	vbroadcast v2, $0xC;
	v25 =	vmul.f32 v19, v13  }
0x108: {  	s18 =	sor.u32 $0x200, s18;
	s21 =	simm.s32 $0x8900;
	s20 =	simm.s32 $0x40;
	v13 =	vbroadcast v2, $0xD;
	v24 =	vmul.f32 v11, v20;
	v11 =	vld [tilespmem:s19+$0x60]  }
.LBB2_7:
0x109: {  	p0 =	sne.s32 s20, $0x1C0  }
0x10a: {  	[tilespmem:s19+$0xFFFFFF00] =	vst v25;
	v25 =	vld [tilespmem:s19+$0xFFFFFFB0];
	v23 =	vmul.f32 v23, v18;
	v16 =	vmul.f32 v16, v6;
	s21 =	sadd.s32 $0x200, s21;
	s22 =	smov.u32 s20;
	s20 =	sadd.s32 $0x40, s20  }
0x10b: {  	[tilespmem:s19+$0xFFFFFF40] =	vst v24;
	v24 =	vbroadcast v2, $0xA;
	v21 =	vmul.f32 v21, v15;
	v26 =	vld [tilespmem:s19+$0xA0]  }
0x10c: {  	v12 =	vmul.f32 v12, v19;
	v19 =	vmul.f32 v22, v20;
	v20 =	vld [tilespmem:s19+$0x70];
	[tilespmem:s19+$0xE0] =	vst v16  }
0x10d: {  	v16 =	vbroadcast v2, $0x5;
	v22 =	vld [tilespmem:s19+$0xFFFFFFE0];
	v17 =	vmul.f32 v17, v13;
	[tilespmem:s19+$0xC0] =	vst v23  }
0x10e: {  	v14 =	vmul.f32 v14, v18;
	[tilespmem:s19+$0xFFFFFF10] =	vst v12;
	v12 =	vbroadcast v2, $0x6;
	v23 =	vld [tilespmem:s19+$0x40]  }
0x10f: {  	v27 =	vbroadcast v2, $0xB;
	v7 =	vmul.f32 v7, v16;
	v18 =	vld [tilespmem:s19+$0xFFFFFF20];
	[tilespmem:s19+$0x90] =	vst v21  }
0x110: {  	v21 =	vbroadcast v2, $0x9;
	[tilespmem:s19+$0xFFFFFF50] =	vst v19;
	v19 =	vld [tilespmem:s19+$0x20];
	v13 =	vmul.f32 v26, v13  }
0x111: {  	v16 =	vmul.f32 v25, v16;
	v25 =	vld [tilespmem:s19+$0x50];
	v20 =	vmul.f32 v20, v27;
	[tilespmem:s19+$0xD0] =	vst v14  }
0x112: {  	v9 =	vmul.f32 v9, v15;
	v14 =	vbroadcast v2, $0x7;
	v26 =	vld [tilespmem:s19+$0x30];
	[tilespmem:s19+$0xA0] =	vst v13  }
0x113: {  	v10 =	vmul.f32 v10, v12;
	v13 =	vbroadcast v2, $0x3;
	v15 =	vld [tilespmem:s19+$0x0];
	[tilespmem:s19+$0x70] =	vst v20  }
0x114: {  	v11 =	vmul.f32 v11, v27;
	v8 =	vmul.f32 v8, v12;
	v12 =	vld [tilespmem:s19+$0x10];
	[tilespmem:s19+$0x80] =	vst v9  }
0x115: {  	v20 =	vbroadcast v2, $0x8;
	v23 =	vmul.f32 v23, v24;
	v9 =	vld [tilespmem:s19+$0xFFFFFF30];
	[tilespmem:s19+$0xB0] =	vst v17  }
0x116: {  	v17 =	vbroadcast v2, $0x1;
	v27 =	vld [tilespmem:s19+$0xFFFFFF70];
	[tilespmem:s19+$0xFFFFFFD0] =	vst v8;
	v24 =	vmul.f32 v25, v24  }
0x117: {  	v4 =	vmul.f32 v4, v14;
	v8 =	vmul.f32 v22, v14;
	[tilespmem:s19+$0xFFFFFFC0] =	vst v10;
	v10 =	vld [tilespmem:s19+$0xF0]  }
0x118: {  	v22 =	vmul.f32 v26, v21;
	v14 =	vld [tilespmem:s19+$0xFFFFFF80];
	[tilespmem:s19+$0xFFFFFFA0] =	vst v7;
	v15 =	vmul.f32 v15, v20  }
0x119: {  	v7 =	vld [tilespmem:s21+$0xFFFFFFA0];
	[tilespmem:s19+$0xFFFFFFF0] =	vst v4;
	v20 =	vmul.f32 v12, v20;
	v12 =	vmul.f32 v19, v21  }
0x11a: {  	v4 =	vmul.f32 v18, v17;
	v17 =	vmul.f32 v9, v17;
	[tilespmem:s19+$0x60] =	vst v11  }
0x11b: {  	v1 =	vmul.f32 v1, v13;
	v9 =	vmul.f32 v27, v13;
	[tilespmem:s19+$0xFFFFFFB0] =	vst v16  }
0x11c: {  	v2 =	vbroadcast v2, $0x4;
	[tilespmem:s19+$0xFFFFFF20] =	vst v4;
	v4 =	vmul.f32 v10, v6  }
0x11d: {  	[tilespmem:s19+$0xFFFFFF60] =	vst v1  }
0x11e: {  	v6 =	vmul.f32 v14, v2;
	v1 =	vmul.f32 v3, v2;
	[tilespmem:s19+$0x40] =	vst v23  }
0x11f: {  	[tilespmem:s19+$0xFFFFFFE0] =	vst v8  }
0x120: {  	[tilespmem:s19+$0xF0] =	vst v4  }
0x121: {  	[tilespmem:s19+$0xFFFFFF90] =	vst v1  }
0x122: {  	[tilespmem:s19+$0xFFFFFF70] =	vst v9  }
0x123: {  	v4 =	vld [tilespmem:s21+$0xFFFFFFF0];
	[tilespmem:s19+$0x20] =	vst v12  }
0x124: {  	v1 =	vld [tilespmem:s21+$0xFFFFFF60];
	[tilespmem:s19+$0x30] =	vst v22  }
0x125: {  	v8 =	vld [tilespmem:s21+$0xFFFFFFD0];
	[tilespmem:s19+$0xFFFFFF80] =	vst v6  }
0x126: {  	v9 =	vld [tilespmem:s21+$0x80];
	[tilespmem:s19+$0x50] =	vst v24  }
0x127: {  	v12 =	vld [tilespmem:s21+$0xFFFFFF10];
	[tilespmem:s19+$0x0] =	vst v15  }
0x128: {  	v16 =	vld [tilespmem:s21+$0xE0];
	[tilespmem:s19+$0xFFFFFF30] =	vst v17  }
0x129: {  	s22 =	sshra.s32 s22, $0x2;
	v11 =	vld [tilespmem:s21+$0xFFFFFF40];
	[tilespmem:s19+$0x10] =	vst v20;
	s19 =	smov.u32 s21  }
0x12a: {  	v2 =	vld.idx.msk [tilespmem:v5+s22+$0x0 ss:$0x1], $0xffff  }
0x12b: {  	v3 =	vld [tilespmem:s21+$0xFFFFFF90]  }
0x12c: {  	v10 =	vld [tilespmem:s21+$0xFFFFFFC0]  }
0x12d: {  	v13 =	vld [tilespmem:s21+$0xFFFFFF00]  }
0x12e: {  	v14 =	vld [tilespmem:s21+$0xD0]  }
.Ltmp4:
0x12f: {  	v23 =	vld [tilespmem:s21+$0xC0];
	(pc) =	sbr.rel @p0 .LBB2_7-.Ltmp4, $4  }
0x130: {  	v19 =	vbroadcast v2, $0x0;
	v6 =	vbroadcast v2, $0xF;
	v21 =	vld [tilespmem:s21+$0x90]  }
0x131: {  	v20 =	vbroadcast v2, $0x2;
	v18 =	vbroadcast v2, $0xE;
	v22 =	vld [tilespmem:s21+$0xFFFFFF50]  }
0x132: {  	v25 =	vmul.f32 v19, v13;
	v13 =	vbroadcast v2, $0xD;
	v17 =	vld [tilespmem:s21+$0xB0]  }
0x133: {  	v15 =	vbroadcast v2, $0xC;
	v24 =	vmul.f32 v11, v20;
	v11 =	vld [tilespmem:s21+$0x60]  }
0x134: {  	[tilespmem:s19+$0xFFFFFF00] =	vst v25;
	v5 =	vmul.f32 v16, v6  }
0x135: {  	v30 =	vmul.f32 v23, v18;
	[tilespmem:s19+$0xFFFFFF40] =	vst v24  }
0x136: {  	v12 =	vmul.f32 v12, v19;
	[tilespmem:s19+$0xE0] =	vst v5  }
0x137: {  	v35 =	vmul.f32 v14, v18;
	[tilespmem:s19+$0xC0] =	vst v30  }
0x138: {  	v33 =	vmul.f32 v21, v15;
	[tilespmem:s19+$0xFFFFFF10] =	vst v12  }
0x139: {  	v41 =	vbroadcast v2, $0x6;
	v9 =	vmul.f32 v9, v15;
	[tilespmem:s19+$0xD0] =	vst v35  }
0x13a: {  	v20 =	vmul.f32 v22, v20;
	[tilespmem:s19+$0x90] =	vst v33  }
0x13b: {  	v45 =	vbroadcast v2, $0x5;
	v8 =	vmul.f32 v8, v41;
	[tilespmem:s19+$0x80] =	vst v9  }
0x13c: {  	v47 =	vbroadcast v2, $0x7;
	v10 =	vmul.f32 v10, v41;
	[tilespmem:s19+$0xFFFFFF50] =	vst v20  }
0x13d: {  	v54 =	vbroadcast v2, $0x3;
	v7 =	vmul.f32 v7, v45;
	[tilespmem:s19+$0xFFFFFFD0] =	vst v8  }
0x13e: {  	v31 =	vld [tilespmem:s19+$0xA0];
	v59 =	vbroadcast v2, $0x4;
	v4 =	vmul.f32 v4, v47;
	[tilespmem:s19+$0xFFFFFFC0] =	vst v10  }
0x13f: {  	v32 =	vld [tilespmem:s19+$0x70];
	v1 =	vmul.f32 v1, v54;
	[tilespmem:s19+$0xFFFFFFA0] =	vst v7  }
0x140: {  	v34 =	vld [tilespmem:s19+$0xFFFFFFB0];
	v37 =	vbroadcast v2, $0xB;
	v3 =	vmul.f32 v3, v59;
	[tilespmem:s19+$0xFFFFFFF0] =	vst v4  }
0x141: {  	v36 =	vld [tilespmem:s19+$0xFFFFFF20];
	v43 =	vmul.f32 v17, v13;
	[tilespmem:s19+$0xFFFFFF60] =	vst v1  }
0x142: {  	v40 =	vld [tilespmem:s19+$0x40];
	v11 =	vmul.f32 v11, v37;
	[tilespmem:s19+$0xFFFFFF90] =	vst v3  }
0x143: {  	v38 =	vld [tilespmem:s19+$0xFFFFFFE0];
	v39 =	vmul.f32 v31, v13;
	[tilespmem:s19+$0xB0] =	vst v43  }
0x144: {  	v52 =	vbroadcast v2, $0x1;
	v55 =	vld [tilespmem:s19+$0xF0];
	v19 =	vmul.f32 v32, v37;
	[tilespmem:s19+$0x60] =	vst v11  }
0x145: {  	v49 =	vld [tilespmem:s19+$0xFFFFFF70];
	v56 =	vbroadcast v2, $0xA;
	v53 =	vmul.f32 v34, v45;
	[tilespmem:s19+$0xA0] =	vst v39  }
0x146: {  	v46 =	vld [tilespmem:s19+$0x30];
	v14 =	vmul.f32 v36, v52;
	[tilespmem:s19+$0x70] =	vst v19  }
0x147: {  	v50 =	vld [tilespmem:s19+$0xFFFFFF80];
	v58 =	vmul.f32 v40, v56;
	[tilespmem:s19+$0xFFFFFFB0] =	vst v53  }
0x148: {  	v44 =	vld [tilespmem:s19+$0x20];
	v5 =	vmul.f32 v38, v47;
	[tilespmem:s19+$0xFFFFFF20] =	vst v14  }
0x149: {  	v57 =	vld [tilespmem:s19+$0xFFFFFF30];
	v60 =	vbroadcast v2, $0x9;
	v1 =	vmul.f32 v55, v6;
	[tilespmem:s19+$0x40] =	vst v58  }
0x14a: {  	v42 =	vld [tilespmem:s19+$0x50];
	v61 =	vmul.f32 v49, v54;
	[tilespmem:s19+$0xFFFFFFE0] =	vst v5  }
0x14b: {  	v48 =	vld [tilespmem:s19+$0x0];
	v3 =	vmul.f32 v46, v60;
	[tilespmem:s19+$0xF0] =	vst v1  }
0x14c: {  	v51 =	vld [tilespmem:s19+$0x10];
	v62 =	vmul.f32 v50, v59;
	[tilespmem:s19+$0xFFFFFF70] =	vst v61  }
0x14d: {  	v1 =	vmul.f32 v44, v60;
	[tilespmem:s19+$0x30] =	vst v3  }
0x14e: {  	v2 =	vbroadcast v2, $0x8;
	v63 =	vmul.f32 v57, v52;
	[tilespmem:s19+$0xFFFFFF80] =	vst v62  }
0x14f: {  	[tilespmem:s19+$0x20] =	vst v1;
	v1 =	vmul.f32 v42, v56  }
0x150: {  	v3 =	vmul.f32 v48, v2;
	[tilespmem:s19+$0xFFFFFF30] =	vst v63  }
0x151: {  	[tilespmem:s19+$0x50] =	vst v1;
	v1 =	vmul.f32 v51, v2  }
0x152: {  	s18 =	sshrl.u32 s18, $0x2;
	p0 =	seq.s32 s14, $0x27;
	[tilespmem:s19+$0x0] =	vst v3  }
.Ltmp5:
0x153: {  	s18 =	sadd.s32 $0x2800, s18;
	[tilespmem:s19+$0x10] =	vst v1;
	(pc) =	sbr.rel @p0 .LBB2_10-.Ltmp5, $4  }
0x154: {  	[spmem:s2] =	stream.indirect.scatter.add.f32 [tilespmem:s10], [sflag:$0x4], $0x20, s18, s7, $0xb8;
	[tilespmem:$0x1E800] =	vst v63  }
0x155: {  	_ =	swait.ge [sflag:s5], $0x1000  }
0x156: {  	[sflag:s5] =	ssyncset.done $0x0  }
0x157: {  	[sflag:s5] =	ssyncadd.s32 $0xFFFFF000  }
0x158: {  	s18 =	sadd.s32 $0x100, s17  }
0x159: {  	[tilespmem:s9], [sflag:$0x1] =	stream.indirect.gather [hbm4b:s4+s7], $0x20, s18, s7, $0xb8;
	[tilespmem:$0x1E800] =	vst v63  }
.Ltmp6:
0x15a: {  	_ = 	snop;
	(pc) =	sbr.rel .LBB2_4-.Ltmp6, $4  }
0x15b: {  	_ =	swait.ge [sflag:s6], $0x1000  }
0x15c: {  	s22 =	sadd.s32 $0x180, s17;
	s14 =	sadd.s32 $0x1, s14;
	[sflag:s6] =	ssyncset.done $0x0  }
0x15d: {  	s15 =	sadd.s32 $0x100, s15;
	s16 =	sadd.s32 $0x100, s16;
	[sflag:s6] =	ssyncadd.s32 $0xFFFFF000  }
0x15e: {  	[tilespmem:s10], [sflag:$0x2] =	stream.indirect.gather [hbm4b:s4+s7], $0x20, s22, s7, $0xb8;
	[tilespmem:$0x1E800] =	vst v63  }
.LBB2_11:
0x15f: {  	_ =	sfence.sel $0x180000  }
0x160: {  	[bflag:$0x0] =	sbarrier.arrive $0xFFFF  }
0x161: {  	_ =	strace $0x90000047  }
0x162: {  	s0 =	stileid.u32;
	[bflag:$0x2] =	sbarrier.arrive $0xFFFF  }
0x163: {  	p0 =	sne.s32 s0, $0x0;
	s0 =	rddreg [dreg:$0x3]  }
0x164: {  	s0 =	sadd.s32 @!p0 $0x100000, s0  }
0x165: {  	[sflag:s0] =	ssyncadd.tile.s32 @!p0 $0x1;
	_ =	shalt  }
.Lfunc_end2:
_tile_overlayer_lowered:
.L_overlay_start_2:
0x166: {  	(tag) =	ssettag $0x2  }
0x167: {  	s0 =	rddreg [dreg:$0x0];
	s2 =	stileid.u32  }
0x168: {  	s1 =	rddreg [dreg:$0x1];
	p0 =	sne.s32 s2, $0x0  }
0x169: {  	s3 =	rddreg [dreg:$0x2];
	[bflag:$0x3] =	sbarrier.arrive $0xFFFF;
	s2 =	simm.s32 @!p0 $0x1C05  }
0x16a: {  	[timem:s3], [sflag:s2] =	dma.local @!p0 [hbm:s0], s1  }
0x16b: {  	s0 =	simm.s32 @!p0 $0x5  }
0x16c: {  	_ =	swait.ge @!p0 [sflag:s0], s1  }
0x16d: {  	s1 =	ssub.s32 @!p0 $0x0, s1;
	[sflag:s0] =	ssyncset.done @!p0 $0x0  }
0x16e: {  	[sflag:s0] =	ssyncadd.s32 @!p0 s1  }
0x16f: {  	[bflag:$0x3] =	sbarrier.arrive $0xFFFF  }
0x170: {  	_ =	shalt  }

</sc_bundles>
